<compile_context>
chip_gen: v7x
topology: tpu7x:2x2x1
jax: 0.10.2.dev20260603
libtpu: 0.0.44.dev20260713+nightly
codegen_flags: <defaults>
</compile_context>

<pallas_src>
import functools

import jax
import jax.numpy as jnp
from jax import lax
from jax.experimental import pallas as pl
from jax.experimental.pallas import tpu as pltpu
from jax.experimental.pallas import tpu_sc as plsc

B = 4
N = 4096
NGROUP = 512
K = 32
D = 64
BPAD = 8


def _fps_body(x_ref, y_ref, z_ref, cent_ref, nx_ref, ny_ref, nz_ref,
              dist_ref, far_ref):
    x = x_ref[...]
    y = y_ref[...]
    z = z_ref[...]
    iota_n = lax.broadcasted_iota(jnp.int32, (BPAD, N), 1)
    iota_g = lax.broadcasted_iota(jnp.int32, (BPAD, NGROUP), 1)
    dist_ref[...] = jnp.full((BPAD, N), 1e10, jnp.float32)
    far_ref[...] = jnp.zeros((BPAD, 128), jnp.int32)

    def body(i, _):
        far = far_ref[:, 0:1]
        sel_g = iota_g == i
        cent_ref[...] = jnp.where(
            sel_g, jnp.broadcast_to(far, (BPAD, NGROUP)), cent_ref[...])
        eqm = iota_n == jnp.broadcast_to(far, (BPAD, N))
        cx = jnp.sum(jnp.where(eqm, x, 0.0), axis=1, keepdims=True)
        cy = jnp.sum(jnp.where(eqm, y, 0.0), axis=1, keepdims=True)
        cz = jnp.sum(jnp.where(eqm, z, 0.0), axis=1, keepdims=True)
        nx_ref[...] = jnp.where(
            sel_g, jnp.broadcast_to(cx, (BPAD, NGROUP)), nx_ref[...])
        ny_ref[...] = jnp.where(
            sel_g, jnp.broadcast_to(cy, (BPAD, NGROUP)), ny_ref[...])
        nz_ref[...] = jnp.where(
            sel_g, jnp.broadcast_to(cz, (BPAD, NGROUP)), nz_ref[...])
        dx = x - cx
        dy = y - cy
        dz = z - cz
        distance = jnp.minimum(dist_ref[...], dx * dx + dy * dy + dz * dz)
        dist_ref[...] = distance
        m = jnp.max(distance, axis=1, keepdims=True)
        newfar = jnp.min(jnp.where(distance == m, iota_n, N),
                         axis=1, keepdims=True)
        far_ref[:, 0:1] = newfar
        return 0

    lax.fori_loop(0, NGROUP, body, 0)


def _fps_call(xp, yp, zp, *, interpret=False):
    return pl.pallas_call(
        _fps_body,
        out_shape=(
            jax.ShapeDtypeStruct((BPAD, NGROUP), jnp.int32),
            jax.ShapeDtypeStruct((BPAD, NGROUP), jnp.float32),
            jax.ShapeDtypeStruct((BPAD, NGROUP), jnp.float32),
            jax.ShapeDtypeStruct((BPAD, NGROUP), jnp.float32),
        ),
        scratch_shapes=[
            pltpu.VMEM((BPAD, N), jnp.float32),
            pltpu.VMEM((BPAD, 128), jnp.int32),
        ],
        interpret=interpret,
    )(xp, yp, zp)


def _knn_body(xyz_ref, newt_ref, idx_ref, dist_ref):
    xyz = xyz_ref[0]
    x = xyz[:, 0:1]
    y = xyz[:, 1:2]
    z = xyz[:, 2:3]
    newt = newt_ref[0]
    gx = newt[0:1, :]
    gy = newt[1:2, :]
    gz = newt[2:3, :]
    dx = gx - x
    dy = gy - y
    dz = gz - z
    dist0 = dx * dx + dy * dy + dz * dz
    dist_ref[...] = dist0
    iota_f = lax.broadcasted_iota(jnp.int32, (N, NGROUP), 0).astype(jnp.float32)
    iota_k = lax.broadcasted_iota(jnp.int32, (K, NGROUP), 0)
    m0 = jnp.min(dist0, axis=0, keepdims=True)

    def body(j, state):
        m, out = state
        dist = dist_ref[...]
        sel = jnp.min(
            jnp.where(dist == jnp.broadcast_to(m, (N, NGROUP)), iota_f, 1e9),
            axis=0, keepdims=True)
        out = jnp.where(
            iota_k == j,
            jnp.broadcast_to(sel.astype(jnp.int32), (K, NGROUP)), out)
        dist2 = jnp.where(
            iota_f == jnp.broadcast_to(sel, (N, NGROUP)), jnp.inf, dist)
        dist_ref[...] = dist2
        m = jnp.min(dist2, axis=0, keepdims=True)
        return m, out

    _, out = lax.fori_loop(
        0, K, body, (m0, jnp.zeros((K, NGROUP), jnp.int32)))
    idx_ref[0] = out


def _knn_call(xyz_pad, newt, *, interpret=False):
    return pl.pallas_call(
        _knn_body,
        grid=(B,),
        in_specs=[
            pl.BlockSpec((1, N, 128), lambda b: (b, 0, 0)),
            pl.BlockSpec((1, BPAD, NGROUP), lambda b: (b, 0, 0)),
        ],
        out_specs=pl.BlockSpec((1, K, NGROUP), lambda b: (b, 0, 0)),
        out_shape=jax.ShapeDtypeStruct((B, K, NGROUP), jnp.int32),
        scratch_shapes=[pltpu.VMEM((N, NGROUP), jnp.float32)],
        interpret=interpret,
    )(xyz_pad, newt)


_NBIG = B * NGROUP * K
_NSMALL = B * NGROUP
_NW = 32
_CHUNK = 128
_BIG_PER_W = _NBIG // _NW
_SMALL_PER_W = _NSMALL // _NW


def _gather_body(pts_hbm, nms_hbm, idxg_hbm, idxs_hbm,
                 gp_hbm, gn_hbm, np_hbm, nn_hbm,
                 idx_all, rows_p, rows_n, idx_s, rows_s, sem_p, sem_n):
    wid = lax.axis_index("s") * 2 + lax.axis_index("c")
    base_w = wid * _BIG_PER_W
    pltpu.sync_copy(idxg_hbm.at[pl.ds(base_w, _BIG_PER_W)], idx_all)

    def chunk(j, carry):
        base = base_w + j * _CHUNK
        idx_v = idx_all.at[pl.ds(j * _CHUNK, _CHUNK)]
        cp = pltpu.async_copy(pts_hbm.at[idx_v], rows_p, sem_p)
        cn = pltpu.async_copy(nms_hbm.at[idx_v], rows_n, sem_n)
        cp.wait()
        pltpu.sync_copy(rows_p, gp_hbm.at[pl.ds(base, _CHUNK)])
        cn.wait()
        pltpu.sync_copy(rows_n, gn_hbm.at[pl.ds(base, _CHUNK)])
        return carry

    lax.fori_loop(0, _BIG_PER_W // _CHUNK, chunk, 0)

    sbase = wid * _SMALL_PER_W
    pltpu.sync_copy(idxs_hbm.at[pl.ds(sbase, _SMALL_PER_W)], idx_s)
    cp = pltpu.async_copy(pts_hbm.at[idx_s], rows_s, sem_p)
    cp.wait()
    pltpu.sync_copy(rows_s, np_hbm.at[pl.ds(sbase, _SMALL_PER_W)])
    cn = pltpu.async_copy(nms_hbm.at[idx_s], rows_s, sem_n)
    cn.wait()
    pltpu.sync_copy(rows_s, nn_hbm.at[pl.ds(sbase, _SMALL_PER_W)])


def _gather_call(pts_flat, nms_flat, idxg_flat, idxs_flat):
    mesh = plsc.VectorSubcoreMesh(core_axis_name="c", subcore_axis_name="s")
    f = functools.partial(
        pl.kernel,
        out_type=(
            jax.ShapeDtypeStruct((_NBIG, D), jnp.float32),
            jax.ShapeDtypeStruct((_NBIG, D), jnp.float32),
            jax.ShapeDtypeStruct((_NSMALL, D), jnp.float32),
            jax.ShapeDtypeStruct((_NSMALL, D), jnp.float32),
        ),
        mesh=mesh,
        compiler_params=pltpu.CompilerParams(use_tc_tiling_on_sc=False),
        scratch_types=[
            pltpu.VMEM((_BIG_PER_W,), jnp.int32),
            pltpu.VMEM((_CHUNK, D), jnp.float32),
            pltpu.VMEM((_CHUNK, D), jnp.float32),
            pltpu.VMEM((_SMALL_PER_W,), jnp.int32),
            pltpu.VMEM((_SMALL_PER_W, D), jnp.float32),
            pltpu.SemaphoreType.DMA,
            pltpu.SemaphoreType.DMA,
        ],
    )(_gather_body)
    return f(pts_flat, nms_flat, idxg_flat, idxs_flat)


_GBLK = 128
_NBLK = NGROUP // _GBLK
_M = NGROUP * K * D


def _norm_body(gp_ref, gn_ref, np_ref, nn_ref, out_ref, acc_ref, scale_ref):
    p = pl.program_id(0)
    b = pl.program_id(1)
    i = pl.program_id(2)
    npv = np_ref[...][:, :, None, :]
    nnv = nn_ref[...][:, :, None, :]
    dp = gp_ref[...] - npv
    dn = gn_ref[...] - nnv

    @pl.when(p == 0)
    def _():
        @pl.when(i == 0)
        def _():
            acc_ref[b, 0] = 0.0
            acc_ref[b, 1] = 0.0
            acc_ref[b, 2] = 0.0
            acc_ref[b, 3] = 0.0

        acc_ref[b, 0] += jnp.sum(dp)
        acc_ref[b, 1] += jnp.sum(dp * dp)
        acc_ref[b, 2] += jnp.sum(dn)
        acc_ref[b, 3] += jnp.sum(dn * dn)

        @pl.when(i == _NBLK - 1)
        def _():
            m = jnp.float32(_M)
            s1p, s2p = acc_ref[b, 0], acc_ref[b, 1]
            s1n, s2n = acc_ref[b, 2], acc_ref[b, 3]
            stdp = jnp.sqrt((s2p - s1p * s1p / m) / (m - 1.0))
            stdn = jnp.sqrt((s2n - s1n * s1n / m) / (m - 1.0))
            scale_ref[b, 0] = 1.0 / (stdp + 1e-5)
            scale_ref[b, 1] = 1.0 / (stdn + 1e-5)

    @pl.when(p == 1)
    def _():
        sp = scale_ref[b, 0]
        sn = scale_ref[b, 1]
        out_ref[:, :, :, 0:D] = dp * sp
        out_ref[:, :, :, D:2 * D] = jnp.broadcast_to(npv, (1, _GBLK, K, D))
        out_ref[:, :, :, 2 * D:3 * D] = dn * sn
        out_ref[:, :, :, 3 * D:4 * D] = jnp.broadcast_to(nnv, (1, _GBLK, K, D))


def _norm_call(gp4, gn4, newp, newn, *, interpret=False):
    return pl.pallas_call(
        _norm_body,
        grid=(2, B, _NBLK),
        in_specs=[
            pl.BlockSpec((1, _GBLK, K, D), lambda p, b, i: (b, i, 0, 0)),
            pl.BlockSpec((1, _GBLK, K, D), lambda p, b, i: (b, i, 0, 0)),
            pl.BlockSpec((1, _GBLK, D), lambda p, b, i: (b, i, 0)),
            pl.BlockSpec((1, _GBLK, D), lambda p, b, i: (b, i, 0)),
        ],
        out_specs=pl.BlockSpec(
            (1, _GBLK, K, 4 * D), lambda p, b, i: (b * p, i * p, 0, 0)),
        out_shape=jax.ShapeDtypeStruct((B, NGROUP, K, 4 * D), jnp.float32),
        scratch_shapes=[
            pltpu.SMEM((B, 4), jnp.float32),
            pltpu.SMEM((B, 2), jnp.float32),
        ],
        interpret=interpret,
    )(gp4, gn4, newp, newn)


_ABLATE = 0


def kernel(xyz, normal_xyz, normals, points):
    del normal_xyz
    pad = ((0, BPAD - B), (0, 0))
    xp = jnp.pad(xyz[:, :, 0], pad)
    yp = jnp.pad(xyz[:, :, 1], pad)
    zp = jnp.pad(xyz[:, :, 2], pad)
    cent, nx, ny, nz = _fps_call(xp, yp, zp)
    fps_idx = cent[:B]
    if _ABLATE == 1:
        return cent

    newt = jnp.stack([nx[:B], ny[:B], nz[:B]], axis=1)
    newt = jnp.pad(newt, ((0, 0), (0, BPAD - 3), (0, 0)))
    xyz_pad = jnp.pad(xyz, ((0, 0), (0, 0), (0, 128 - 3)))
    idx_kt = _knn_call(xyz_pad, newt)
    if _ABLATE == 2:
        return idx_kt

    offs = (jnp.arange(B, dtype=jnp.int32) * N)[:, None]
    idxg_flat = (idx_kt.transpose(0, 2, 1).reshape(B, NGROUP * K) + offs).reshape(-1)
    idxs_flat = (fps_idx + offs).reshape(-1)
    pts_flat = points.reshape(B * N, D)
    nms_flat = normals.reshape(B * N, D)
    gp, gn, npts, nnms = _gather_call(pts_flat, nms_flat, idxg_flat, idxs_flat)
    if _ABLATE == 3:
        return gp

    gp4 = gp.reshape(B, NGROUP, K, D)
    gn4 = gn.reshape(B, NGROUP, K, D)
    newp = npts.reshape(B, NGROUP, D)
    newn = nnms.reshape(B, NGROUP, D)
    return _norm_call(gp4, gn4, newp, newn)

# --- scband reference (transcript-rebuilt; emitter-appended) ---
"""Pipeline reference for scband-grouper-block-old-57475252355560 (READ-ONLY COPY).

The authoritative reference and input builder live on the scoring server;
editing this copy changes nothing except your own understanding.
"""

import jax, jax.numpy as jnp
import numpy as np

GROUPS = 512
KNEIGHBORS = 32


def index_points(points, idx):
    B = idx.shape[0]
    C = points.shape[-1]
    flat = idx.reshape(B, -1)
    gidx = jnp.broadcast_to(flat[:, :, None], (B, flat.shape[1], C))
    out = jnp.take_along_axis(points, gidx, axis=1)
    return out.reshape(idx.shape + (C,))


def farthest_point_sample(xyz, npoint):
    xyz = jax.lax.stop_gradient(xyz)
    B, N, C = xyz.shape

    def body(i, state):
        distance, farthest, centroids = state
        centroids = centroids.at[:, i].set(farthest)
        cidx = jnp.broadcast_to(farthest[:, None, None], (B, 1, C))
        centroid = jnp.take_along_axis(xyz, cidx, axis=1)
        dist = jnp.sum((xyz - centroid) ** 2, axis=-1)
        distance = jnp.minimum(distance, dist)
        farthest = jnp.argmax(distance, axis=-1).astype(jnp.int32)
        return (distance, farthest, centroids)

    distance = jnp.full((B, N), 1e10, dtype=xyz.dtype)
    farthest = jnp.zeros((B,), dtype=jnp.int32)
    centroids = jnp.zeros((B, npoint), dtype=jnp.int32)
    _, _, centroids = jax.lax.fori_loop(0, npoint, body, (distance, farthest, centroids))
    return centroids


def knn_point(k, xyz, new_xyz):
    dist = jnp.sum((new_xyz[:, :, None, :] - xyz[:, None, :, :]) ** 2, axis=-1)
    _, idx = jax.lax.top_k(-dist, k)
    return idx


def setup_inputs(seed: int = 0):
    key = jax.random.key(seed)
    k1, k2, k3, k4 = jax.random.split(key, 4)
    xyz = jax.random.normal(k1, (4, 4096, 3), dtype=jnp.float32)
    normal_xyz = jax.random.normal(k2, (4, 4096, 3), dtype=jnp.float32)
    normals = jax.random.normal(k3, (4, 4096, 64), dtype=jnp.float32)
    points = jax.random.normal(k4, (4, 4096, 64), dtype=jnp.float32)
    return {"xyz": xyz, "normal_xyz": normal_xyz, "normals": normals, "points": points}


def reference(xyz, normal_xyz, normals, points):
    B, N, C = xyz.shape
    fps_idx = farthest_point_sample(xyz, GROUPS)
    new_xyz = index_points(xyz, fps_idx)
    new_points = index_points(points, fps_idx)
    new_normals = index_points(normals, fps_idx)
    idx = knn_point(KNEIGHBORS, jax.lax.stop_gradient(xyz), jax.lax.stop_gradient(new_xyz))
    grouped_points = index_points(points, idx)
    grouped_normals = index_points(normals, idx)
    # normalize == 'anchor', use_xyz == False
    pts_mean = new_points[:, :, None, :]
    nms_mean = new_normals[:, :, None, :]
    pts_std = jnp.std((grouped_points - pts_mean).reshape(B, -1), axis=-1, ddof=1, keepdims=True)[:, :, None, None]
    nms_std = jnp.std((grouped_normals - nms_mean).reshape(B, -1), axis=-1, ddof=1, keepdims=True)[:, :, None, None]
    grouped_points = (grouped_points - pts_mean) / (pts_std + 1e-05)
    grouped_normals = (grouped_normals - nms_mean) / (nms_std + 1e-05)
    D = new_points.shape[-1]
    rep_points = jnp.broadcast_to(new_points[:, :, None, :], (B, GROUPS, KNEIGHBORS, D))
    rep_normals = jnp.broadcast_to(new_normals[:, :, None, :], (B, GROUPS, KNEIGHBORS, D))
    new_points_out = jnp.concatenate([grouped_points, rep_points], axis=-1)
    new_normals_out = jnp.concatenate([grouped_normals, rep_normals], axis=-1)
    new_features = jnp.concatenate([new_points_out, new_normals_out], axis=-1)
    return new_features

if __name__ == "__main__":
    import jax
    _d = setup_inputs()
    print(jax.jit(kernel)(*tuple(_d.values())))

</pallas_src>

<mosaic_0001>
#map = affine_map<(d0, d1) -> (0, 0)>
#map1 = affine_map<(d0, d1) -> (0)>
module attributes {stable_mosaic.version = 14 : i64} {
  func.func @_gather_body(%arg0: i32, %arg1: i32, %arg2: memref<16384x64xf32, #tpu.memory_space<hbm>>, %arg3: memref<16384x64xf32, #tpu.memory_space<hbm>>, %arg4: memref<65536xi32, #tpu.memory_space<hbm>>, %arg5: memref<2048xi32, #tpu.memory_space<hbm>>, %arg6: memref<65536x64xf32, #tpu.memory_space<hbm>>, %arg7: memref<65536x64xf32, #tpu.memory_space<hbm>>, %arg8: memref<2048x64xf32, #tpu.memory_space<hbm>>, %arg9: memref<2048x64xf32, #tpu.memory_space<hbm>>, %arg10: memref<2048xi32, #tpu.memory_space<vmem>>, %arg11: memref<128x64xf32, #tpu.memory_space<vmem>>, %arg12: memref<128x64xf32, #tpu.memory_space<vmem>>, %arg13: memref<64xi32, #tpu.memory_space<vmem>>, %arg14: memref<64x64xf32, #tpu.memory_space<vmem>>, %arg15: memref<!tpu.dma_semaphore, #tpu.memory_space<semaphore_mem>>, %arg16: memref<!tpu.dma_semaphore, #tpu.memory_space<semaphore_mem>>) attributes {dimension_semantics = [#tpu.dimension_semantics<core_parallel>, #tpu.dimension_semantics<subcore_parallel>], iteration_bounds = array<i64: 2, 16>, scalar_prefetch = 0 : i64, scratch_operands = 7 : i64, tpu.core_type = #tpu.core_type<sc_vector_subcore>, window_params = [{transform_indices = #map}, {transform_indices = #map}, {transform_indices = #map1}, {transform_indices = #map1}, {transform_indices = #map}, {transform_indices = #map}, {transform_indices = #map}, {transform_indices = #map}]} {
    %mul3A = arith.constant 2 : i32
    %mul3A_0 = arith.muli %arg1, %mul3A : i32
    %add3A = arith.addi %mul3A_0, %arg0 : i32
    %mul3A_1 = arith.constant 2048 : i32
    %mul3A_2 = arith.muli %add3A, %mul3A_1 : i32
    "tpu.region"() ({
      %run_scoped3A = tpu.sem_alloc : memref<!tpu.dma_semaphore, #tpu.memory_space<semaphore_mem>>
      %dma_start3A_20 = tpu.memref_slice %arg4[%mul3A_2] : memref<65536xi32, #tpu.memory_space<hbm>> -> memref<2048xi32, #tpu.memory_space<hbm>>
      %dma_start3A_21 = tpu.memref_slice %arg4[%mul3A_2] : memref<65536xi32, #tpu.memory_space<hbm>> -> memref<2048xi32, #tpu.memory_space<hbm>>
      tpu.enqueue_dma source(%dma_start3A_21 : memref<2048xi32, #tpu.memory_space<hbm>>) target(%arg10 : memref<2048xi32, #tpu.memory_space<vmem>>) target_semaphore(%run_scoped3A : memref<!tpu.dma_semaphore, #tpu.memory_space<semaphore_mem>>)
      %dma_wait3A_22 = tpu.memref_slice %arg4[%mul3A_2] : memref<65536xi32, #tpu.memory_space<hbm>> -> memref<2048xi32, #tpu.memory_space<hbm>>
      %dma_wait3A_23 = tpu.memref_slice %arg4[%mul3A_2] : memref<65536xi32, #tpu.memory_space<hbm>> -> memref<2048xi32, #tpu.memory_space<hbm>>
      tpu.wait_dma2 semaphore(%run_scoped3A : memref<!tpu.dma_semaphore, #tpu.memory_space<semaphore_mem>>) src(%dma_wait3A_23 : memref<2048xi32, #tpu.memory_space<hbm>>) dst(%arg10 : memref<2048xi32, #tpu.memory_space<vmem>>)
      tpu.yield
    }) : () -> ()
    %scan3A = arith.constant 0 : i32
    %scan3A_3 = arith.constant 0 : i32
    %scan3A_4 = arith.constant 16 : i32
    %scan3A_5 = arith.addi %scan3A_3, %scan3A_4 : i32
    %scan3A_6 = arith.constant 1 : i32
    scf.for %scan3A_20 = %scan3A_3 to %scan3A_5 step %scan3A_6  : i32 {
      %mul3A_21 = arith.constant 128 : i32
      %mul3A_22 = arith.muli %scan3A_20, %mul3A_21 : i32
      %add3A_23 = arith.addi %mul3A_2, %mul3A_22 : i32
      %mul3A_24 = arith.constant 128 : i32
      %mul3A_25 = arith.muli %scan3A_20, %mul3A_24 : i32
      %dma_start3A_26 = tpu.memref_slice %arg10[%mul3A_25] : memref<2048xi32, #tpu.memory_space<vmem>> -> memref<128xi32, #tpu.memory_space<vmem>>
      %dma_start3A_27 = arith.constant 0 : i32
      %dma_start3A_28 = arith.constant 0 : i32
      %dma_start3A_29 = tpu.memref_slice %arg2[%dma_start3A_27, %dma_start3A_28] : memref<16384x64xf32, #tpu.memory_space<hbm>> -> memref<16384x64xf32, #tpu.memory_space<hbm>>
      tpu.enqueue_indirect_dma source(%dma_start3A_29 : memref<16384x64xf32, #tpu.memory_space<hbm>>) target(%arg11 : memref<128x64xf32, #tpu.memory_space<vmem>>) offsets(%dma_start3A_26 : memref<128xi32, #tpu.memory_space<vmem>>) semaphore(%arg15 : memref<!tpu.dma_semaphore, #tpu.memory_space<semaphore_mem>>)
      %dma_start3A_30 = tpu.memref_slice %arg10[%mul3A_25] : memref<2048xi32, #tpu.memory_space<vmem>> -> memref<128xi32, #tpu.memory_space<vmem>>
      %dma_start3A_31 = arith.constant 0 : i32
      %dma_start3A_32 = arith.constant 0 : i32
      %dma_start3A_33 = tpu.memref_slice %arg3[%dma_start3A_31, %dma_start3A_32] : memref<16384x64xf32, #tpu.memory_space<hbm>> -> memref<16384x64xf32, #tpu.memory_space<hbm>>
      tpu.enqueue_indirect_dma source(%dma_start3A_33 : memref<16384x64xf32, #tpu.memory_space<hbm>>) target(%arg12 : memref<128x64xf32, #tpu.memory_space<vmem>>) offsets(%dma_start3A_30 : memref<128xi32, #tpu.memory_space<vmem>>) semaphore(%arg16 : memref<!tpu.dma_semaphore, #tpu.memory_space<semaphore_mem>>)
      %dma_wait3A_34 = tpu.memref_slice %arg10[%mul3A_25] : memref<2048xi32, #tpu.memory_space<vmem>> -> memref<128xi32, #tpu.memory_space<vmem>>
      %dma_wait3A_35 = arith.constant 0 : i32
      %dma_wait3A_36 = arith.constant 0 : i32
      %dma_wait3A_37 = tpu.memref_slice %arg2[%dma_wait3A_35, %dma_wait3A_36] : memref<16384x64xf32, #tpu.memory_space<hbm>> -> memref<16384x64xf32, #tpu.memory_space<hbm>>
      tpu.wait_indirect_dma semaphore(%arg15 : memref<!tpu.dma_semaphore, #tpu.memory_space<semaphore_mem>>) src(%dma_wait3A_37 : memref<16384x64xf32, #tpu.memory_space<hbm>>) dst(%arg11 : memref<128x64xf32, #tpu.memory_space<vmem>>)
      "tpu.region"() ({
        %run_scoped3A = tpu.sem_alloc : memref<!tpu.dma_semaphore, #tpu.memory_space<semaphore_mem>>
        %dma_start3A_42 = arith.constant 0 : i32
        %dma_start3A_43 = tpu.memref_slice %arg6[%add3A_23, %dma_start3A_42] : memref<65536x64xf32, #tpu.memory_space<hbm>> -> memref<128x64xf32, #tpu.memory_space<hbm>>
        %dma_start3A_44 = arith.constant 0 : i32
        %dma_start3A_45 = tpu.memref_slice %arg6[%add3A_23, %dma_start3A_44] : memref<65536x64xf32, #tpu.memory_space<hbm>> -> memref<128x64xf32, #tpu.memory_space<hbm>>
        tpu.enqueue_dma source(%arg11 : memref<128x64xf32, #tpu.memory_space<vmem>>) target(%dma_start3A_45 : memref<128x64xf32, #tpu.memory_space<hbm>>) target_semaphore(%run_scoped3A : memref<!tpu.dma_semaphore, #tpu.memory_space<semaphore_mem>>)
        %dma_wait3A_46 = arith.constant 0 : i32
        %dma_wait3A_47 = tpu.memref_slice %arg6[%add3A_23, %dma_wait3A_46] : memref<65536x64xf32, #tpu.memory_space<hbm>> -> memref<128x64xf32, #tpu.memory_space<hbm>>
        %dma_wait3A_48 = arith.constant 0 : i32
        %dma_wait3A_49 = tpu.memref_slice %arg6[%add3A_23, %dma_wait3A_48] : memref<65536x64xf32, #tpu.memory_space<hbm>> -> memref<128x64xf32, #tpu.memory_space<hbm>>
        tpu.wait_dma2 semaphore(%run_scoped3A : memref<!tpu.dma_semaphore, #tpu.memory_space<semaphore_mem>>) src(%arg11 : memref<128x64xf32, #tpu.memory_space<vmem>>) dst(%dma_wait3A_49 : memref<128x64xf32, #tpu.memory_space<hbm>>)
        tpu.yield
      }) : () -> ()
      %dma_wait3A_38 = tpu.memref_slice %arg10[%mul3A_25] : memref<2048xi32, #tpu.memory_space<vmem>> -> memref<128xi32, #tpu.memory_space<vmem>>
      %dma_wait3A_39 = arith.constant 0 : i32
      %dma_wait3A_40 = arith.constant 0 : i32
      %dma_wait3A_41 = tpu.memref_slice %arg3[%dma_wait3A_39, %dma_wait3A_40] : memref<16384x64xf32, #tpu.memory_space<hbm>> -> memref<16384x64xf32, #tpu.memory_space<hbm>>
      tpu.wait_indirect_dma semaphore(%arg16 : memref<!tpu.dma_semaphore, #tpu.memory_space<semaphore_mem>>) src(%dma_wait3A_41 : memref<16384x64xf32, #tpu.memory_space<hbm>>) dst(%arg12 : memref<128x64xf32, #tpu.memory_space<vmem>>)
      "tpu.region"() ({
        %run_scoped3A = tpu.sem_alloc : memref<!tpu.dma_semaphore, #tpu.memory_space<semaphore_mem>>
        %dma_start3A_42 = arith.constant 0 : i32
        %dma_start3A_43 = tpu.memref_slice %arg7[%add3A_23, %dma_start3A_42] : memref<65536x64xf32, #tpu.memory_space<hbm>> -> memref<128x64xf32, #tpu.memory_space<hbm>>
        %dma_start3A_44 = arith.constant 0 : i32
        %dma_start3A_45 = tpu.memref_slice %arg7[%add3A_23, %dma_start3A_44] : memref<65536x64xf32, #tpu.memory_space<hbm>> -> memref<128x64xf32, #tpu.memory_space<hbm>>
        tpu.enqueue_dma source(%arg12 : memref<128x64xf32, #tpu.memory_space<vmem>>) target(%dma_start3A_45 : memref<128x64xf32, #tpu.memory_space<hbm>>) target_semaphore(%run_scoped3A : memref<!tpu.dma_semaphore, #tpu.memory_space<semaphore_mem>>)
        %dma_wait3A_46 = arith.constant 0 : i32
        %dma_wait3A_47 = tpu.memref_slice %arg7[%add3A_23, %dma_wait3A_46] : memref<65536x64xf32, #tpu.memory_space<hbm>> -> memref<128x64xf32, #tpu.memory_space<hbm>>
        %dma_wait3A_48 = arith.constant 0 : i32
        %dma_wait3A_49 = tpu.memref_slice %arg7[%add3A_23, %dma_wait3A_48] : memref<65536x64xf32, #tpu.memory_space<hbm>> -> memref<128x64xf32, #tpu.memory_space<hbm>>
        tpu.wait_dma2 semaphore(%run_scoped3A : memref<!tpu.dma_semaphore, #tpu.memory_space<semaphore_mem>>) src(%arg12 : memref<128x64xf32, #tpu.memory_space<vmem>>) dst(%dma_wait3A_49 : memref<128x64xf32, #tpu.memory_space<hbm>>)
        tpu.yield
      }) : () -> ()
    }
    %scan3A_7 = arith.constant 16 : i32
    %mul3A_8 = arith.constant 64 : i32
    %mul3A_9 = arith.muli %add3A, %mul3A_8 : i32
    "tpu.region"() ({
      %run_scoped3A = tpu.sem_alloc : memref<!tpu.dma_semaphore, #tpu.memory_space<semaphore_mem>>
      %dma_start3A_20 = tpu.memref_slice %arg5[%mul3A_9] : memref<2048xi32, #tpu.memory_space<hbm>> -> memref<64xi32, #tpu.memory_space<hbm>>
      %dma_start3A_21 = tpu.memref_slice %arg5[%mul3A_9] : memref<2048xi32, #tpu.memory_space<hbm>> -> memref<64xi32, #tpu.memory_space<hbm>>
      tpu.enqueue_dma source(%dma_start3A_21 : memref<64xi32, #tpu.memory_space<hbm>>) target(%arg13 : memref<64xi32, #tpu.memory_space<vmem>>) target_semaphore(%run_scoped3A : memref<!tpu.dma_semaphore, #tpu.memory_space<semaphore_mem>>)
      %dma_wait3A_22 = tpu.memref_slice %arg5[%mul3A_9] : memref<2048xi32, #tpu.memory_space<hbm>> -> memref<64xi32, #tpu.memory_space<hbm>>
      %dma_wait3A_23 = tpu.memref_slice %arg5[%mul3A_9] : memref<2048xi32, #tpu.memory_space<hbm>> -> memref<64xi32, #tpu.memory_space<hbm>>
      tpu.wait_dma2 semaphore(%run_scoped3A : memref<!tpu.dma_semaphore, #tpu.memory_space<semaphore_mem>>) src(%dma_wait3A_23 : memref<64xi32, #tpu.memory_space<hbm>>) dst(%arg13 : memref<64xi32, #tpu.memory_space<vmem>>)
      tpu.yield
    }) : () -> ()
    %dma_start3A = arith.constant 0 : i32
    %dma_start3A_10 = arith.constant 0 : i32
    %dma_start3A_11 = tpu.memref_slice %arg2[%dma_start3A, %dma_start3A_10] : memref<16384x64xf32, #tpu.memory_space<hbm>> -> memref<16384x64xf32, #tpu.memory_space<hbm>>
    tpu.enqueue_indirect_dma source(%dma_start3A_11 : memref<16384x64xf32, #tpu.memory_space<hbm>>) target(%arg14 : memref<64x64xf32, #tpu.memory_space<vmem>>) offsets(%arg13 : memref<64xi32, #tpu.memory_space<vmem>>) semaphore(%arg15 : memref<!tpu.dma_semaphore, #tpu.memory_space<semaphore_mem>>)
    %dma_wait3A = arith.constant 0 : i32
    %dma_wait3A_12 = arith.constant 0 : i32
    %dma_wait3A_13 = tpu.memref_slice %arg2[%dma_wait3A, %dma_wait3A_12] : memref<16384x64xf32, #tpu.memory_space<hbm>> -> memref<16384x64xf32, #tpu.memory_space<hbm>>
    tpu.wait_indirect_dma semaphore(%arg15 : memref<!tpu.dma_semaphore, #tpu.memory_space<semaphore_mem>>) src(%dma_wait3A_13 : memref<16384x64xf32, #tpu.memory_space<hbm>>) dst(%arg14 : memref<64x64xf32, #tpu.memory_space<vmem>>)
    "tpu.region"() ({
      %run_scoped3A = tpu.sem_alloc : memref<!tpu.dma_semaphore, #tpu.memory_space<semaphore_mem>>
      %dma_start3A_20 = arith.constant 0 : i32
      %dma_start3A_21 = tpu.memref_slice %arg8[%mul3A_9, %dma_start3A_20] : memref<2048x64xf32, #tpu.memory_space<hbm>> -> memref<64x64xf32, #tpu.memory_space<hbm>>
      %dma_start3A_22 = arith.constant 0 : i32
      %dma_start3A_23 = tpu.memref_slice %arg8[%mul3A_9, %dma_start3A_22] : memref<2048x64xf32, #tpu.memory_space<hbm>> -> memref<64x64xf32, #tpu.memory_space<hbm>>
      tpu.enqueue_dma source(%arg14 : memref<64x64xf32, #tpu.memory_space<vmem>>) target(%dma_start3A_23 : memref<64x64xf32, #tpu.memory_space<hbm>>) target_semaphore(%run_scoped3A : memref<!tpu.dma_semaphore, #tpu.memory_space<semaphore_mem>>)
      %dma_wait3A_24 = arith.constant 0 : i32
      %dma_wait3A_25 = tpu.memref_slice %arg8[%mul3A_9, %dma_wait3A_24] : memref<2048x64xf32, #tpu.memory_space<hbm>> -> memref<64x64xf32, #tpu.memory_space<hbm>>
      %dma_wait3A_26 = arith.constant 0 : i32
      %dma_wait3A_27 = tpu.memref_slice %arg8[%mul3A_9, %dma_wait3A_26] : memref<2048x64xf32, #tpu.memory_space<hbm>> -> memref<64x64xf32, #tpu.memory_space<hbm>>
      tpu.wait_dma2 semaphore(%run_scoped3A : memref<!tpu.dma_semaphore, #tpu.memory_space<semaphore_mem>>) src(%arg14 : memref<64x64xf32, #tpu.memory_space<vmem>>) dst(%dma_wait3A_27 : memref<64x64xf32, #tpu.memory_space<hbm>>)
      tpu.yield
    }) : () -> ()
    %dma_start3A_14 = arith.constant 0 : i32
    %dma_start3A_15 = arith.constant 0 : i32
    %dma_start3A_16 = tpu.memref_slice %arg3[%dma_start3A_14, %dma_start3A_15] : memref<16384x64xf32, #tpu.memory_space<hbm>> -> memref<16384x64xf32, #tpu.memory_space<hbm>>
    tpu.enqueue_indirect_dma source(%dma_start3A_16 : memref<16384x64xf32, #tpu.memory_space<hbm>>) target(%arg14 : memref<64x64xf32, #tpu.memory_space<vmem>>) offsets(%arg13 : memref<64xi32, #tpu.memory_space<vmem>>) semaphore(%arg16 : memref<!tpu.dma_semaphore, #tpu.memory_space<semaphore_mem>>)
    %dma_wait3A_17 = arith.constant 0 : i32
    %dma_wait3A_18 = arith.constant 0 : i32
    %dma_wait3A_19 = tpu.memref_slice %arg3[%dma_wait3A_17, %dma_wait3A_18] : memref<16384x64xf32, #tpu.memory_space<hbm>> -> memref<16384x64xf32, #tpu.memory_space<hbm>>
    tpu.wait_indirect_dma semaphore(%arg16 : memref<!tpu.dma_semaphore, #tpu.memory_space<semaphore_mem>>) src(%dma_wait3A_19 : memref<16384x64xf32, #tpu.memory_space<hbm>>) dst(%arg14 : memref<64x64xf32, #tpu.memory_space<vmem>>)
    "tpu.region"() ({
      %run_scoped3A = tpu.sem_alloc : memref<!tpu.dma_semaphore, #tpu.memory_space<semaphore_mem>>
      %dma_start3A_20 = arith.constant 0 : i32
      %dma_start3A_21 = tpu.memref_slice %arg9[%mul3A_9, %dma_start3A_20] : memref<2048x64xf32, #tpu.memory_space<hbm>> -> memref<64x64xf32, #tpu.memory_space<hbm>>
      %dma_start3A_22 = arith.constant 0 : i32
      %dma_start3A_23 = tpu.memref_slice %arg9[%mul3A_9, %dma_start3A_22] : memref<2048x64xf32, #tpu.memory_space<hbm>> -> memref<64x64xf32, #tpu.memory_space<hbm>>
      tpu.enqueue_dma source(%arg14 : memref<64x64xf32, #tpu.memory_space<vmem>>) target(%dma_start3A_23 : memref<64x64xf32, #tpu.memory_space<hbm>>) target_semaphore(%run_scoped3A : memref<!tpu.dma_semaphore, #tpu.memory_space<semaphore_mem>>)
      %dma_wait3A_24 = arith.constant 0 : i32
      %dma_wait3A_25 = tpu.memref_slice %arg9[%mul3A_9, %dma_wait3A_24] : memref<2048x64xf32, #tpu.memory_space<hbm>> -> memref<64x64xf32, #tpu.memory_space<hbm>>
      %dma_wait3A_26 = arith.constant 0 : i32
      %dma_wait3A_27 = tpu.memref_slice %arg9[%mul3A_9, %dma_wait3A_26] : memref<2048x64xf32, #tpu.memory_space<hbm>> -> memref<64x64xf32, #tpu.memory_space<hbm>>
      tpu.wait_dma2 semaphore(%run_scoped3A : memref<!tpu.dma_semaphore, #tpu.memory_space<semaphore_mem>>) src(%arg14 : memref<64x64xf32, #tpu.memory_space<vmem>>) dst(%dma_wait3A_27 : memref<64x64xf32, #tpu.memory_space<hbm>>)
      tpu.yield
    }) : () -> ()
    return
  }
}

module attributes {stable_mosaic.version = 14 : i64} {
  func.func @_fps_body(%arg0: memref<8x4096xf32, #tpu.memory_space<vmem>>, %arg1: memref<8x4096xf32, #tpu.memory_space<vmem>>, %arg2: memref<8x4096xf32, #tpu.memory_space<vmem>>, %arg3: memref<8x512xi32, #tpu.memory_space<vmem>>, %arg4: memref<8x512xf32, #tpu.memory_space<vmem>>, %arg5: memref<8x512xf32, #tpu.memory_space<vmem>>, %arg6: memref<8x512xf32, #tpu.memory_space<vmem>>, %arg7: memref<8x4096xf32, #tpu.memory_space<vmem>>, %arg8: memref<8x128xi32, #tpu.memory_space<vmem>>) attributes {dimension_semantics = [], scalar_prefetch = 0 : i64, scratch_operands = 2 : i64, tpu.core_type = #tpu.core_type<tc>} {
    %get3A = arith.constant 0 : index
    %get3A_0 = arith.constant 0 : index
    %get3A_1 = vector.load %arg0[%get3A, %get3A_0] : memref<8x4096xf32, #tpu.memory_space<vmem>>, vector<8x4096xf32>
    %get3A_2 = arith.constant 0 : index
    %get3A_3 = arith.constant 0 : index
    %get3A_4 = vector.load %arg1[%get3A_2, %get3A_3] : memref<8x4096xf32, #tpu.memory_space<vmem>>, vector<8x4096xf32>
    %get3A_5 = arith.constant 0 : index
    %get3A_6 = arith.constant 0 : index
    %get3A_7 = vector.load %arg2[%get3A_5, %get3A_6] : memref<8x4096xf32, #tpu.memory_space<vmem>>, vector<8x4096xf32>
    %iota3A = tpu.iota {dimensions = array<i32: 1>} : vector<8x4096xi32>
    %iota3A_8 = tpu.iota {dimensions = array<i32: 1>} : vector<8x512xi32>
    %broadcast_in_dim3A = arith.constant 1.000000e+10 : f32
    %broadcast_in_dim3A_9 = vector.broadcast %broadcast_in_dim3A : f32 to vector<8x4096xf32>
    %swap3A = arith.constant 0 : index
    %swap3A_10 = arith.constant 0 : index
    %swap3A_11 = vector.load %arg7[%swap3A, %swap3A_10] : memref<8x4096xf32, #tpu.memory_space<vmem>>, vector<8x4096xf32>
    tpu.vector_store %arg7[%swap3A, %swap3A_10], %broadcast_in_dim3A_9 {strides = array<i32>} : memref<8x4096xf32, #tpu.memory_space<vmem>>, vector<8x4096xf32>,
    %broadcast_in_dim3A_12 = arith.constant 0 : i32
    %broadcast_in_dim3A_13 = vector.broadcast %broadcast_in_dim3A_12 : i32 to vector<8x128xi32>
    %swap3A_14 = arith.constant 0 : index
    %swap3A_15 = arith.constant 0 : index
    %swap3A_16 = vector.load %arg8[%swap3A_14, %swap3A_15] : memref<8x128xi32, #tpu.memory_space<vmem>>, vector<8x128xi32>
    tpu.vector_store %arg8[%swap3A_14, %swap3A_15], %broadcast_in_dim3A_13 {strides = array<i32>} : memref<8x128xi32, #tpu.memory_space<vmem>>, vector<8x128xi32>,
    %scan3A = arith.constant 0 : i32
    %scan3A_17 = arith.constant 512 : i32
    %scan3A_18 = arith.addi %scan3A, %scan3A_17 : i32
    %scan3A_19 = arith.constant 1 : i32
    scf.for %scan3A_21 = %scan3A to %scan3A_18 step %scan3A_19  : i32 {
      %get3A_22 = arith.constant 0 : index
      %get3A_23 = arith.constant 0 : index
      %get3A_24 = vector.load %arg8[%get3A_22, %get3A_23] : memref<8x128xi32, #tpu.memory_space<vmem>>, vector<8x1xi32>
      %eq3A = vector.broadcast %scan3A_21 : i32 to vector<8x512xi32>
      %eq3A_25 = arith.cmpi eq, %iota3A_8, %eq3A : vector<8x512xi32>
      %broadcast_in_dim3A_26 = vector.shape_cast %get3A_24 : vector<8x1xi32> to vector<8x1xi32>
      %broadcast_in_dim3A_27 = vector.broadcast %broadcast_in_dim3A_26 : vector<8x1xi32> to vector<8x512xi32>
      %get3A_28 = arith.constant 0 : index
      %get3A_29 = arith.constant 0 : index
      %get3A_30 = vector.load %arg3[%get3A_28, %get3A_29] : memref<8x512xi32, #tpu.memory_space<vmem>>, vector<8x512xi32>
      %select_n3A = arith.select %eq3A_25, %broadcast_in_dim3A_27, %get3A_30 : vector<8x512xi1>, vector<8x512xi32>
      %swap3A_31 = arith.constant 0 : index
      %swap3A_32 = arith.constant 0 : index
      %swap3A_33 = vector.load %arg3[%swap3A_31, %swap3A_32] : memref<8x512xi32, #tpu.memory_space<vmem>>, vector<8x512xi32>
      tpu.vector_store %arg3[%swap3A_31, %swap3A_32], %select_n3A {strides = array<i32>} : memref<8x512xi32, #tpu.memory_space<vmem>>, vector<8x512xi32>,
      %broadcast_in_dim3A_34 = vector.shape_cast %get3A_24 : vector<8x1xi32> to vector<8x1xi32>
      %broadcast_in_dim3A_35 = vector.broadcast %broadcast_in_dim3A_34 : vector<8x1xi32> to vector<8x4096xi32>
      %eq3A_36 = arith.cmpi eq, %iota3A, %broadcast_in_dim3A_35 : vector<8x4096xi32>
      %jit3A = arith.constant 0.000000e+00 : f32
      %broadcast_in_dim3A_37 = vector.broadcast %jit3A : f32 to vector<8x4096xf32>
      %select_n3A_38 = arith.select %eq3A_36, %get3A_1, %broadcast_in_dim3A_37 : vector<8x4096xi1>, vector<8x4096xf32>
      %reduce_sum3A = arith.constant dense<0.000000e+00> : vector<8xf32>
      %reduce_sum3A_39 = vector.multi_reduction <add>, %select_n3A_38, %reduce_sum3A [1] : vector<8x4096xf32> to vector<8xf32>
      %broadcast_in_dim3A_40 = vector.shape_cast %reduce_sum3A_39 : vector<8xf32> to vector<8x1xf32>
      %jit3A_41 = arith.constant 0.000000e+00 : f32
      %broadcast_in_dim3A_42 = vector.broadcast %jit3A_41 : f32 to vector<8x4096xf32>
      %select_n3A_43 = arith.select %eq3A_36, %get3A_4, %broadcast_in_dim3A_42 : vector<8x4096xi1>, vector<8x4096xf32>
      %reduce_sum3A_44 = arith.constant dense<0.000000e+00> : vector<8xf32>
      %reduce_sum3A_45 = vector.multi_reduction <add>, %select_n3A_43, %reduce_sum3A_44 [1] : vector<8x4096xf32> to vector<8xf32>
      %broadcast_in_dim3A_46 = vector.shape_cast %reduce_sum3A_45 : vector<8xf32> to vector<8x1xf32>
      %jit3A_47 = arith.constant 0.000000e+00 : f32
      %broadcast_in_dim3A_48 = vector.broadcast %jit3A_47 : f32 to vector<8x4096xf32>
      %select_n3A_49 = arith.select %eq3A_36, %get3A_7, %broadcast_in_dim3A_48 : vector<8x4096xi1>, vector<8x4096xf32>
      %reduce_sum3A_50 = arith.constant dense<0.000000e+00> : vector<8xf32>
      %reduce_sum3A_51 = vector.multi_reduction <add>, %select_n3A_49, %reduce_sum3A_50 [1] : vector<8x4096xf32> to vector<8xf32>
      %broadcast_in_dim3A_52 = vector.shape_cast %reduce_sum3A_51 : vector<8xf32> to vector<8x1xf32>
      %broadcast_in_dim3A_53 = vector.shape_cast %broadcast_in_dim3A_40 : vector<8x1xf32> to vector<8x1xf32>
      %broadcast_in_dim3A_54 = vector.broadcast %broadcast_in_dim3A_53 : vector<8x1xf32> to vector<8x512xf32>
      %get3A_55 = arith.constant 0 : index
      %get3A_56 = arith.constant 0 : index
      %get3A_57 = vector.load %arg4[%get3A_55, %get3A_56] : memref<8x512xf32, #tpu.memory_space<vmem>>, vector<8x512xf32>
      %select_n3A_58 = arith.select %eq3A_25, %broadcast_in_dim3A_54, %get3A_57 : vector<8x512xi1>, vector<8x512xf32>
      %swap3A_59 = arith.constant 0 : index
      %swap3A_60 = arith.constant 0 : index
      %swap3A_61 = vector.load %arg4[%swap3A_59, %swap3A_60] : memref<8x512xf32, #tpu.memory_space<vmem>>, vector<8x512xf32>
      tpu.vector_store %arg4[%swap3A_59, %swap3A_60], %select_n3A_58 {strides = array<i32>} : memref<8x512xf32, #tpu.memory_space<vmem>>, vector<8x512xf32>,
      %broadcast_in_dim3A_62 = vector.shape_cast %broadcast_in_dim3A_46 : vector<8x1xf32> to vector<8x1xf32>
      %broadcast_in_dim3A_63 = vector.broadcast %broadcast_in_dim3A_62 : vector<8x1xf32> to vector<8x512xf32>
      %get3A_64 = arith.constant 0 : index
      %get3A_65 = arith.constant 0 : index
      %get3A_66 = vector.load %arg5[%get3A_64, %get3A_65] : memref<8x512xf32, #tpu.memory_space<vmem>>, vector<8x512xf32>
      %select_n3A_67 = arith.select %eq3A_25, %broadcast_in_dim3A_63, %get3A_66 : vector<8x512xi1>, vector<8x512xf32>
      %swap3A_68 = arith.constant 0 : index
      %swap3A_69 = arith.constant 0 : index
      %swap3A_70 = vector.load %arg5[%swap3A_68, %swap3A_69] : memref<8x512xf32, #tpu.memory_space<vmem>>, vector<8x512xf32>
      tpu.vector_store %arg5[%swap3A_68, %swap3A_69], %select_n3A_67 {strides = array<i32>} : memref<8x512xf32, #tpu.memory_space<vmem>>, vector<8x512xf32>,
      %broadcast_in_dim3A_71 = vector.shape_cast %broadcast_in_dim3A_52 : vector<8x1xf32> to vector<8x1xf32>
      %broadcast_in_dim3A_72 = vector.broadcast %broadcast_in_dim3A_71 : vector<8x1xf32> to vector<8x512xf32>
      %get3A_73 = arith.constant 0 : index
      %get3A_74 = arith.constant 0 : index
      %get3A_75 = vector.load %arg6[%get3A_73, %get3A_74] : memref<8x512xf32, #tpu.memory_space<vmem>>, vector<8x512xf32>
      %select_n3A_76 = arith.select %eq3A_25, %broadcast_in_dim3A_72, %get3A_75 : vector<8x512xi1>, vector<8x512xf32>
      %swap3A_77 = arith.constant 0 : index
      %swap3A_78 = arith.constant 0 : index
      %swap3A_79 = vector.load %arg6[%swap3A_77, %swap3A_78] : memref<8x512xf32, #tpu.memory_space<vmem>>, vector<8x512xf32>
      tpu.vector_store %arg6[%swap3A_77, %swap3A_78], %select_n3A_76 {strides = array<i32>} : memref<8x512xf32, #tpu.memory_space<vmem>>, vector<8x512xf32>,
      %sub3A = vector.broadcast %broadcast_in_dim3A_40 : vector<8x1xf32> to vector<8x4096xf32>
      %sub3A_80 = arith.subf %get3A_1, %sub3A : vector<8x4096xf32>
      %sub3A_81 = vector.broadcast %broadcast_in_dim3A_46 : vector<8x1xf32> to vector<8x4096xf32>
      %sub3A_82 = arith.subf %get3A_4, %sub3A_81 : vector<8x4096xf32>
      %sub3A_83 = vector.broadcast %broadcast_in_dim3A_52 : vector<8x1xf32> to vector<8x4096xf32>
      %sub3A_84 = arith.subf %get3A_7, %sub3A_83 : vector<8x4096xf32>
      %get3A_85 = arith.constant 0 : index
      %get3A_86 = arith.constant 0 : index
      %get3A_87 = vector.load %arg7[%get3A_85, %get3A_86] : memref<8x4096xf32, #tpu.memory_space<vmem>>, vector<8x4096xf32>
      %mul3A = arith.mulf %sub3A_80, %sub3A_80 : vector<8x4096xf32>
      %mul3A_88 = arith.mulf %sub3A_82, %sub3A_82 : vector<8x4096xf32>
      %add3A = arith.addf %mul3A, %mul3A_88 : vector<8x4096xf32>
      %mul3A_89 = arith.mulf %sub3A_84, %sub3A_84 : vector<8x4096xf32>
      %add3A_90 = arith.addf %add3A, %mul3A_89 : vector<8x4096xf32>
      %min3A = arith.minimumf %get3A_87, %add3A_90 : vector<8x4096xf32>
      %swap3A_91 = arith.constant 0 : index
      %swap3A_92 = arith.constant 0 : index
      %swap3A_93 = vector.load %arg7[%swap3A_91, %swap3A_92] : memref<8x4096xf32, #tpu.memory_space<vmem>>, vector<8x4096xf32>
      tpu.vector_store %arg7[%swap3A_91, %swap3A_92], %min3A {strides = array<i32>} : memref<8x4096xf32, #tpu.memory_space<vmem>>, vector<8x4096xf32>,
      %reduce_max3A = arith.constant dense<0xFF800000> : vector<8xf32>
      %reduce_max3A_94 = vector.multi_reduction <maximumf>, %min3A, %reduce_max3A [1] : vector<8x4096xf32> to vector<8xf32>
      %broadcast_in_dim3A_95 = vector.shape_cast %reduce_max3A_94 : vector<8xf32> to vector<8x1xf32>
      %eq3A_96 = vector.broadcast %broadcast_in_dim3A_95 : vector<8x1xf32> to vector<8x4096xf32>
      %eq3A_97 = arith.cmpf oeq, %min3A, %eq3A_96 : vector<8x4096xf32>
      %jit3A_98 = arith.constant 4096 : i32
      %broadcast_in_dim3A_99 = vector.broadcast %jit3A_98 : i32 to vector<8x4096xi32>
      %select_n3A_100 = arith.select %eq3A_97, %iota3A, %broadcast_in_dim3A_99 : vector<8x4096xi1>, vector<8x4096xi32>
      %reduce_min3A = arith.constant dense<2147483647> : vector<8xi32>
      %reduce_min3A_101 = vector.multi_reduction <minsi>, %select_n3A_100, %reduce_min3A [1] : vector<8x4096xi32> to vector<8xi32>
      %broadcast_in_dim3A_102 = vector.shape_cast %reduce_min3A_101 : vector<8xi32> to vector<8x1xi32>
      %swap3A_103 = arith.constant 0 : index
      %swap3A_104 = arith.constant 0 : index
      %swap3A_105 = vector.load %arg8[%swap3A_103, %swap3A_104] : memref<8x128xi32, #tpu.memory_space<vmem>>, vector<8x1xi32>
      tpu.vector_store %arg8[%swap3A_103, %swap3A_104], %broadcast_in_dim3A_102 {strides = array<i32>} : memref<8x128xi32, #tpu.memory_space<vmem>>, vector<8x1xi32>,
    }
    %scan3A_20 = arith.constant 512 : i32
    return
  }
}

module attributes {stable_mosaic.version = 14 : i64} {
  func.func @_knn_body(%arg0: i32, %arg1: memref<1x4096x128xf32, #tpu.memory_space<vmem>>, %arg2: memref<1x8x512xf32, #tpu.memory_space<vmem>>, %arg3: memref<1x32x512xi32, #tpu.memory_space<vmem>>, %arg4: memref<4096x512xf32, #tpu.memory_space<vmem>>) attributes {dimension_semantics = [#tpu.dimension_semantics<arbitrary>], iteration_bounds = array<i64: 4>, scalar_prefetch = 0 : i64, scratch_operands = 1 : i64, tpu.core_type = #tpu.core_type<tc>, window_params = [{transform_indices = @transform_0, window_bounds = array<i64: 1, 4096, 128>}, {transform_indices = @transform_1, window_bounds = array<i64: 1, 8, 512>}, {transform_indices = @transform_2, window_bounds = array<i64: 1, 32, 512>}]} {
    %get3A = arith.constant 0 : index
    %get3A_0 = arith.constant 0 : index
    %get3A_1 = arith.constant 0 : index
    %get3A_2 = vector.load %arg1[%get3A, %get3A_0, %get3A_1] : memref<1x4096x128xf32, #tpu.memory_space<vmem>>, vector<1x4096x128xf32>
    %get3A_3 = vector.shape_cast %get3A_2 : vector<1x4096x128xf32> to vector<4096x128xf32>
    %slice3A = vector.extract_strided_slice %get3A_3 {offsets = [0, 0], sizes = [4096, 1], strides = [1, 1]} : vector<4096x128xf32> to vector<4096x1xf32>
    %slice3A_4 = vector.extract_strided_slice %get3A_3 {offsets = [0, 1], sizes = [4096, 1], strides = [1, 1]} : vector<4096x128xf32> to vector<4096x1xf32>
    %slice3A_5 = vector.extract_strided_slice %get3A_3 {offsets = [0, 2], sizes = [4096, 1], strides = [1, 1]} : vector<4096x128xf32> to vector<4096x1xf32>
    %get3A_6 = arith.constant 0 : index
    %get3A_7 = arith.constant 0 : index
    %get3A_8 = arith.constant 0 : index
    %get3A_9 = vector.load %arg2[%get3A_6, %get3A_7, %get3A_8] : memref<1x8x512xf32, #tpu.memory_space<vmem>>, vector<1x8x512xf32>
    %get3A_10 = vector.shape_cast %get3A_9 : vector<1x8x512xf32> to vector<8x512xf32>
    %slice3A_11 = vector.extract_strided_slice %get3A_10 {offsets = [0, 0], sizes = [1, 512], strides = [1, 1]} : vector<8x512xf32> to vector<1x512xf32>
    %slice3A_12 = vector.extract_strided_slice %get3A_10 {offsets = [1, 0], sizes = [1, 512], strides = [1, 1]} : vector<8x512xf32> to vector<1x512xf32>
    %slice3A_13 = vector.extract_strided_slice %get3A_10 {offsets = [2, 0], sizes = [1, 512], strides = [1, 1]} : vector<8x512xf32> to vector<1x512xf32>
    %sub3A = vector.broadcast %slice3A_11 : vector<1x512xf32> to vector<4096x512xf32>
    %sub3A_14 = vector.broadcast %slice3A : vector<4096x1xf32> to vector<4096x512xf32>
    %sub3A_15 = arith.subf %sub3A, %sub3A_14 : vector<4096x512xf32>
    %sub3A_16 = vector.broadcast %slice3A_12 : vector<1x512xf32> to vector<4096x512xf32>
    %sub3A_17 = vector.broadcast %slice3A_4 : vector<4096x1xf32> to vector<4096x512xf32>
    %sub3A_18 = arith.subf %sub3A_16, %sub3A_17 : vector<4096x512xf32>
    %sub3A_19 = vector.broadcast %slice3A_13 : vector<1x512xf32> to vector<4096x512xf32>
    %sub3A_20 = vector.broadcast %slice3A_5 : vector<4096x1xf32> to vector<4096x512xf32>
    %sub3A_21 = arith.subf %sub3A_19, %sub3A_20 : vector<4096x512xf32>
    %mul3A = arith.mulf %sub3A_15, %sub3A_15 : vector<4096x512xf32>
    %mul3A_22 = arith.mulf %sub3A_18, %sub3A_18 : vector<4096x512xf32>
    %add3A = arith.addf %mul3A, %mul3A_22 : vector<4096x512xf32>
    %mul3A_23 = arith.mulf %sub3A_21, %sub3A_21 : vector<4096x512xf32>
    %add3A_24 = arith.addf %add3A, %mul3A_23 : vector<4096x512xf32>
    %swap3A = arith.constant 0 : index
    %swap3A_25 = arith.constant 0 : index
    %swap3A_26 = vector.load %arg4[%swap3A, %swap3A_25] : memref<4096x512xf32, #tpu.memory_space<vmem>>, vector<4096x512xf32>
    tpu.vector_store %arg4[%swap3A, %swap3A_25], %add3A_24 {strides = array<i32>} : memref<4096x512xf32, #tpu.memory_space<vmem>>, vector<4096x512xf32>,
    %iota3A = tpu.iota {dimensions = array<i32: 0>} : vector<4096x512xi32>
    %convert_element_type3A = arith.sitofp %iota3A : vector<4096x512xi32> to vector<4096x512xf32>
    %iota3A_27 = tpu.iota {dimensions = array<i32: 0>} : vector<32x512xi32>
    %reduce_min3A = arith.constant dense<0x7F800000> : vector<512xf32>
    %reduce_min3A_28 = vector.multi_reduction <minimumf>, %add3A_24, %reduce_min3A [0] : vector<4096x512xf32> to vector<512xf32>
    %broadcast_in_dim3A = vector.shape_cast %reduce_min3A_28 : vector<512xf32> to vector<1x512xf32>
    %broadcast_in_dim3A_29 = arith.constant 0 : i32
    %broadcast_in_dim3A_30 = vector.broadcast %broadcast_in_dim3A_29 : i32 to vector<32x512xi32>
    %scan3A = arith.constant 0 : i32
    %scan3A_31 = arith.constant 32 : i32
    %scan3A_32 = arith.addi %scan3A, %scan3A_31 : i32
    %scan3A_33 = arith.constant 1 : i32
    %scan3A_34:2 = scf.for %scan3A_42 = %scan3A to %scan3A_32 step %scan3A_33 iter_args(%scan3A_43 = %broadcast_in_dim3A, %scan3A_44 = %broadcast_in_dim3A_30) -> (vector<1x512xf32>, vector<32x512xi32>)  : i32 {
      %get3A_45 = arith.constant 0 : index
      %get3A_46 = arith.constant 0 : index
      %get3A_47 = vector.load %arg4[%get3A_45, %get3A_46] : memref<4096x512xf32, #tpu.memory_space<vmem>>, vector<4096x512xf32>
      %broadcast_in_dim3A_48 = vector.shape_cast %scan3A_43 : vector<1x512xf32> to vector<1x512xf32>
      %broadcast_in_dim3A_49 = vector.broadcast %broadcast_in_dim3A_48 : vector<1x512xf32> to vector<4096x512xf32>
      %eq3A = arith.cmpf oeq, %get3A_47, %broadcast_in_dim3A_49 : vector<4096x512xf32>
      %jit3A = arith.constant 1.000000e+09 : f32
      %broadcast_in_dim3A_50 = vector.broadcast %jit3A : f32 to vector<4096x512xf32>
      %select_n3A = arith.select %eq3A, %convert_element_type3A, %broadcast_in_dim3A_50 : vector<4096x512xi1>, vector<4096x512xf32>
      %reduce_min3A_51 = arith.constant dense<0x7F800000> : vector<512xf32>
      %reduce_min3A_52 = vector.multi_reduction <minimumf>, %select_n3A, %reduce_min3A_51 [0] : vector<4096x512xf32> to vector<512xf32>
      %broadcast_in_dim3A_53 = vector.shape_cast %reduce_min3A_52 : vector<512xf32> to vector<1x512xf32>
      %eq3A_54 = vector.broadcast %scan3A_42 : i32 to vector<32x512xi32>
      %eq3A_55 = arith.cmpi eq, %iota3A_27, %eq3A_54 : vector<32x512xi32>
      %convert_element_type3A_56 = arith.fptosi %broadcast_in_dim3A_53 : vector<1x512xf32> to vector<1x512xi32>
      %broadcast_in_dim3A_57 = vector.shape_cast %convert_element_type3A_56 : vector<1x512xi32> to vector<1x512xi32>
      %broadcast_in_dim3A_58 = vector.broadcast %broadcast_in_dim3A_57 : vector<1x512xi32> to vector<32x512xi32>
      %select_n3A_59 = arith.select %eq3A_55, %broadcast_in_dim3A_58, %scan3A_44 : vector<32x512xi1>, vector<32x512xi32>
      %broadcast_in_dim3A_60 = vector.shape_cast %broadcast_in_dim3A_53 : vector<1x512xf32> to vector<1x512xf32>
      %broadcast_in_dim3A_61 = vector.broadcast %broadcast_in_dim3A_60 : vector<1x512xf32> to vector<4096x512xf32>
      %eq3A_62 = arith.cmpf oeq, %convert_element_type3A, %broadcast_in_dim3A_61 : vector<4096x512xf32>
      %jit3A_63 = arith.constant 0x7F800000 : f32
      %broadcast_in_dim3A_64 = vector.broadcast %jit3A_63 : f32 to vector<4096x512xf32>
      %select_n3A_65 = arith.select %eq3A_62, %broadcast_in_dim3A_64, %get3A_47 : vector<4096x512xi1>, vector<4096x512xf32>
      %swap3A_66 = arith.constant 0 : index
      %swap3A_67 = arith.constant 0 : index
      %swap3A_68 = vector.load %arg4[%swap3A_66, %swap3A_67] : memref<4096x512xf32, #tpu.memory_space<vmem>>, vector<4096x512xf32>
      tpu.vector_store %arg4[%swap3A_66, %swap3A_67], %select_n3A_65 {strides = array<i32>} : memref<4096x512xf32, #tpu.memory_space<vmem>>, vector<4096x512xf32>,
      %reduce_min3A_69 = arith.constant dense<0x7F800000> : vector<512xf32>
      %reduce_min3A_70 = vector.multi_reduction <minimumf>, %select_n3A_65, %reduce_min3A_69 [0] : vector<4096x512xf32> to vector<512xf32>
      %broadcast_in_dim3A_71 = vector.shape_cast %reduce_min3A_70 : vector<512xf32> to vector<1x512xf32>
      scf.yield %broadcast_in_dim3A_71, %select_n3A_59 : vector<1x512xf32>, vector<32x512xi32>
    }
    %scan3A_35 = arith.constant 32 : i32
    %swap3A_36 = arith.constant 0 : index
    %swap3A_37 = arith.constant 0 : index
    %swap3A_38 = arith.constant 0 : index
    %swap3A_39 = vector.load %arg3[%swap3A_36, %swap3A_37, %swap3A_38] : memref<1x32x512xi32, #tpu.memory_space<vmem>>, vector<1x32x512xi32>
    %swap3A_40 = vector.shape_cast %swap3A_39 : vector<1x32x512xi32> to vector<32x512xi32>
    %swap3A_41 = vector.shape_cast %scan3A_34#1 : vector<32x512xi32> to vector<1x32x512xi32>
    tpu.vector_store %arg3[%swap3A_36, %swap3A_37, %swap3A_38], %swap3A_41 {strides = array<i32>} : memref<1x32x512xi32, #tpu.memory_space<vmem>>, vector<1x32x512xi32>,
    return
  }
  func.func @transform_0(%arg0: i32) -> (i32, i32, i32) {
    %c0_i32 = arith.constant 0 : i32
    %c0_i32_0 = arith.constant 0 : i32
    %c0_i32_1 = arith.constant 0 : i32
    return %arg0, %c0_i32, %c0_i32_0 : i32, i32, i32
  }
  func.func @transform_1(%arg0: i32) -> (i32, i32, i32) {
    %c0_i32 = arith.constant 0 : i32
    %c0_i32_0 = arith.constant 0 : i32
    %c0_i32_1 = arith.constant 0 : i32
    return %arg0, %c0_i32, %c0_i32_0 : i32, i32, i32
  }
  func.func @transform_2(%arg0: i32) -> (i32, i32, i32) {
    %c0_i32 = arith.constant 0 : i32
    %c0_i32_0 = arith.constant 0 : i32
    %c0_i32_1 = arith.constant 0 : i32
    return %arg0, %c0_i32, %c0_i32_0 : i32, i32, i32
  }
}

module attributes {stable_mosaic.version = 14 : i64} {
  func.func @_norm_body(%arg0: i32, %arg1: i32, %arg2: i32, %arg3: memref<1x128x32x64xf32, #tpu.memory_space<vmem>>, %arg4: memref<1x128x32x64xf32, #tpu.memory_space<vmem>>, %arg5: memref<1x128x64xf32, #tpu.memory_space<vmem>>, %arg6: memref<1x128x64xf32, #tpu.memory_space<vmem>>, %arg7: memref<1x128x32x256xf32, #tpu.memory_space<vmem>>, %arg8: memref<4x4xf32, #tpu.memory_space<smem>>, %arg9: memref<4x2xf32, #tpu.memory_space<smem>>) attributes {dimension_semantics = [#tpu.dimension_semantics<arbitrary>, #tpu.dimension_semantics<arbitrary>, #tpu.dimension_semantics<arbitrary>], iteration_bounds = array<i64: 2, 4, 4>, scalar_prefetch = 0 : i64, scratch_operands = 2 : i64, tpu.core_type = #tpu.core_type<tc>, window_params = [{transform_indices = @transform_0, window_bounds = array<i64: 1, 128, 32, 64>}, {transform_indices = @transform_1, window_bounds = array<i64: 1, 128, 32, 64>}, {transform_indices = @transform_2, window_bounds = array<i64: 1, 128, 64>}, {transform_indices = @transform_3, window_bounds = array<i64: 1, 128, 64>}, {transform_indices = @transform_4, window_bounds = array<i64: 1, 128, 32, 256>}]} {
    %get3A = arith.constant 0 : index
    %get3A_0 = arith.constant 0 : index
    %get3A_1 = arith.constant 0 : index
    %get3A_2 = vector.load %arg5[%get3A, %get3A_0, %get3A_1] : memref<1x128x64xf32, #tpu.memory_space<vmem>>, vector<1x128x64xf32>
    %broadcast_in_dim3A = vector.shape_cast %get3A_2 : vector<1x128x64xf32> to vector<1x128x1x64xf32>
    %get3A_3 = arith.constant 0 : index
    %get3A_4 = arith.constant 0 : index
    %get3A_5 = arith.constant 0 : index
    %get3A_6 = vector.load %arg6[%get3A_3, %get3A_4, %get3A_5] : memref<1x128x64xf32, #tpu.memory_space<vmem>>, vector<1x128x64xf32>
    %broadcast_in_dim3A_7 = vector.shape_cast %get3A_6 : vector<1x128x64xf32> to vector<1x128x1x64xf32>
    %get3A_8 = arith.constant 0 : index
    %get3A_9 = arith.constant 0 : index
    %get3A_10 = arith.constant 0 : index
    %get3A_11 = arith.constant 0 : index
    %get3A_12 = vector.load %arg3[%get3A_8, %get3A_9, %get3A_10, %get3A_11] : memref<1x128x32x64xf32, #tpu.memory_space<vmem>>, vector<1x128x32x64xf32>
    %sub3A = vector.broadcast %broadcast_in_dim3A : vector<1x128x1x64xf32> to vector<1x128x32x64xf32>
    %sub3A_13 = arith.subf %get3A_12, %sub3A : vector<1x128x32x64xf32>
    %get3A_14 = arith.constant 0 : index
    %get3A_15 = arith.constant 0 : index
    %get3A_16 = arith.constant 0 : index
    %get3A_17 = arith.constant 0 : index
    %get3A_18 = vector.load %arg4[%get3A_14, %get3A_15, %get3A_16, %get3A_17] : memref<1x128x32x64xf32, #tpu.memory_space<vmem>>, vector<1x128x32x64xf32>
    %sub3A_19 = vector.broadcast %broadcast_in_dim3A_7 : vector<1x128x1x64xf32> to vector<1x128x32x64xf32>
    %sub3A_20 = arith.subf %get3A_18, %sub3A_19 : vector<1x128x32x64xf32>
    %eq3A = arith.constant 0 : i32
    %eq3A_21 = arith.cmpi eq, %arg0, %eq3A : i32
    %convert_element_type3A = arith.extui %eq3A_21 : i1 to i32
    %cond3A = arith.constant 0 : i32
    %cond3A_22 = arith.cmpi ne, %convert_element_type3A, %cond3A : i32
    scf.if %cond3A_22 {
      %eq3A_28 = arith.constant 0 : i32
      %eq3A_29 = arith.cmpi eq, %arg2, %eq3A_28 : i32
      %convert_element_type3A_30 = arith.extui %eq3A_29 : i1 to i32
      %cond3A_31 = arith.constant 0 : i32
      %cond3A_32 = arith.cmpi ne, %convert_element_type3A_30, %cond3A_31 : i32
      scf.if %cond3A_32 {
        %swap3A_84 = arith.constant 0.000000e+00 : f32
        %swap3A_85 = arith.index_cast %arg1 : i32 to index
        %swap3A_86 = arith.constant 0 : index
        %swap3A_87 = memref.load %arg8[%swap3A_85, %swap3A_86] : memref<4x4xf32, #tpu.memory_space<smem>>
        memref.store %swap3A_84, %arg8[%swap3A_85, %swap3A_86] : memref<4x4xf32, #tpu.memory_space<smem>>
        %swap3A_88 = arith.constant 0.000000e+00 : f32
        %swap3A_89 = arith.index_cast %arg1 : i32 to index
        %swap3A_90 = arith.constant 1 : index
        %swap3A_91 = memref.load %arg8[%swap3A_89, %swap3A_90] : memref<4x4xf32, #tpu.memory_space<smem>>
        memref.store %swap3A_88, %arg8[%swap3A_89, %swap3A_90] : memref<4x4xf32, #tpu.memory_space<smem>>
        %swap3A_92 = arith.constant 0.000000e+00 : f32
        %swap3A_93 = arith.index_cast %arg1 : i32 to index
        %swap3A_94 = arith.constant 2 : index
        %swap3A_95 = memref.load %arg8[%swap3A_93, %swap3A_94] : memref<4x4xf32, #tpu.memory_space<smem>>
        memref.store %swap3A_92, %arg8[%swap3A_93, %swap3A_94] : memref<4x4xf32, #tpu.memory_space<smem>>
        %swap3A_96 = arith.constant 0.000000e+00 : f32
        %swap3A_97 = arith.index_cast %arg1 : i32 to index
        %swap3A_98 = arith.constant 3 : index
        %swap3A_99 = memref.load %arg8[%swap3A_97, %swap3A_98] : memref<4x4xf32, #tpu.memory_space<smem>>
        memref.store %swap3A_96, %arg8[%swap3A_97, %swap3A_98] : memref<4x4xf32, #tpu.memory_space<smem>>
      } else {
      }
      %get3A_33 = arith.index_cast %arg1 : i32 to index
      %get3A_34 = arith.constant 0 : index
      %get3A_35 = memref.load %arg8[%get3A_33, %get3A_34] : memref<4x4xf32, #tpu.memory_space<smem>>
      %reduce_sum3A = vector.shape_cast %sub3A_13 : vector<1x128x32x64xf32> to vector<1x1x128x32x64xf32>
      %reduce_sum3A_36 = arith.constant dense<0.000000e+00> : vector<1xf32>
      %reduce_sum3A_37 = vector.multi_reduction <add>, %reduce_sum3A, %reduce_sum3A_36 [1, 2, 3, 4] : vector<1x1x128x32x64xf32> to vector<1xf32>
      %reduce_sum3A_38 = vector.shape_cast %reduce_sum3A_37 : vector<1xf32> to vector<1x1x1x1x1xf32>
      %reduce_sum3A_39 = vector.extract %reduce_sum3A_38[0, 0, 0, 0, 0] : f32 from vector<1x1x1x1x1xf32>
      %add3A = arith.addf %get3A_35, %reduce_sum3A_39 : f32
      %swap3A = arith.index_cast %arg1 : i32 to index
      %swap3A_40 = arith.constant 0 : index
      %swap3A_41 = memref.load %arg8[%swap3A, %swap3A_40] : memref<4x4xf32, #tpu.memory_space<smem>>
      memref.store %add3A, %arg8[%swap3A, %swap3A_40] : memref<4x4xf32, #tpu.memory_space<smem>>
      %get3A_42 = arith.index_cast %arg1 : i32 to index
      %get3A_43 = arith.constant 1 : index
      %get3A_44 = memref.load %arg8[%get3A_42, %get3A_43] : memref<4x4xf32, #tpu.memory_space<smem>>
      %mul3A = arith.mulf %sub3A_13, %sub3A_13 : vector<1x128x32x64xf32>
      %reduce_sum3A_45 = vector.shape_cast %mul3A : vector<1x128x32x64xf32> to vector<1x1x128x32x64xf32>
      %reduce_sum3A_46 = arith.constant dense<0.000000e+00> : vector<1xf32>
      %reduce_sum3A_47 = vector.multi_reduction <add>, %reduce_sum3A_45, %reduce_sum3A_46 [1, 2, 3, 4] : vector<1x1x128x32x64xf32> to vector<1xf32>
      %reduce_sum3A_48 = vector.shape_cast %reduce_sum3A_47 : vector<1xf32> to vector<1x1x1x1x1xf32>
      %reduce_sum3A_49 = vector.extract %reduce_sum3A_48[0, 0, 0, 0, 0] : f32 from vector<1x1x1x1x1xf32>
      %add3A_50 = arith.addf %get3A_44, %reduce_sum3A_49 : f32
      %swap3A_51 = arith.index_cast %arg1 : i32 to index
      %swap3A_52 = arith.constant 1 : index
      %swap3A_53 = memref.load %arg8[%swap3A_51, %swap3A_52] : memref<4x4xf32, #tpu.memory_space<smem>>
      memref.store %add3A_50, %arg8[%swap3A_51, %swap3A_52] : memref<4x4xf32, #tpu.memory_space<smem>>
      %get3A_54 = arith.index_cast %arg1 : i32 to index
      %get3A_55 = arith.constant 2 : index
      %get3A_56 = memref.load %arg8[%get3A_54, %get3A_55] : memref<4x4xf32, #tpu.memory_space<smem>>
      %reduce_sum3A_57 = vector.shape_cast %sub3A_20 : vector<1x128x32x64xf32> to vector<1x1x128x32x64xf32>
      %reduce_sum3A_58 = arith.constant dense<0.000000e+00> : vector<1xf32>
      %reduce_sum3A_59 = vector.multi_reduction <add>, %reduce_sum3A_57, %reduce_sum3A_58 [1, 2, 3, 4] : vector<1x1x128x32x64xf32> to vector<1xf32>
      %reduce_sum3A_60 = vector.shape_cast %reduce_sum3A_59 : vector<1xf32> to vector<1x1x1x1x1xf32>
      %reduce_sum3A_61 = vector.extract %reduce_sum3A_60[0, 0, 0, 0, 0] : f32 from vector<1x1x1x1x1xf32>
      %add3A_62 = arith.addf %get3A_56, %reduce_sum3A_61 : f32
      %swap3A_63 = arith.index_cast %arg1 : i32 to index
      %swap3A_64 = arith.constant 2 : index
      %swap3A_65 = memref.load %arg8[%swap3A_63, %swap3A_64] : memref<4x4xf32, #tpu.memory_space<smem>>
      memref.store %add3A_62, %arg8[%swap3A_63, %swap3A_64] : memref<4x4xf32, #tpu.memory_space<smem>>
      %get3A_66 = arith.index_cast %arg1 : i32 to index
      %get3A_67 = arith.constant 3 : index
      %get3A_68 = memref.load %arg8[%get3A_66, %get3A_67] : memref<4x4xf32, #tpu.memory_space<smem>>
      %mul3A_69 = arith.mulf %sub3A_20, %sub3A_20 : vector<1x128x32x64xf32>
      %reduce_sum3A_70 = vector.shape_cast %mul3A_69 : vector<1x128x32x64xf32> to vector<1x1x128x32x64xf32>
      %reduce_sum3A_71 = arith.constant dense<0.000000e+00> : vector<1xf32>
      %reduce_sum3A_72 = vector.multi_reduction <add>, %reduce_sum3A_70, %reduce_sum3A_71 [1, 2, 3, 4] : vector<1x1x128x32x64xf32> to vector<1xf32>
      %reduce_sum3A_73 = vector.shape_cast %reduce_sum3A_72 : vector<1xf32> to vector<1x1x1x1x1xf32>
      %reduce_sum3A_74 = vector.extract %reduce_sum3A_73[0, 0, 0, 0, 0] : f32 from vector<1x1x1x1x1xf32>
      %add3A_75 = arith.addf %get3A_68, %reduce_sum3A_74 : f32
      %swap3A_76 = arith.index_cast %arg1 : i32 to index
      %swap3A_77 = arith.constant 3 : index
      %swap3A_78 = memref.load %arg8[%swap3A_76, %swap3A_77] : memref<4x4xf32, #tpu.memory_space<smem>>
      memref.store %add3A_75, %arg8[%swap3A_76, %swap3A_77] : memref<4x4xf32, #tpu.memory_space<smem>>
      %eq3A_79 = arith.constant 3 : i32
      %eq3A_80 = arith.cmpi eq, %arg2, %eq3A_79 : i32
      %convert_element_type3A_81 = arith.extui %eq3A_80 : i1 to i32
      %cond3A_82 = arith.constant 0 : i32
      %cond3A_83 = arith.cmpi ne, %convert_element_type3A_81, %cond3A_82 : i32
      scf.if %cond3A_83 {
        %get3A_84 = arith.index_cast %arg1 : i32 to index
        %get3A_85 = arith.constant 0 : index
        %get3A_86 = memref.load %arg8[%get3A_84, %get3A_85] : memref<4x4xf32, #tpu.memory_space<smem>>
        %get3A_87 = arith.index_cast %arg1 : i32 to index
        %get3A_88 = arith.constant 1 : index
        %get3A_89 = memref.load %arg8[%get3A_87, %get3A_88] : memref<4x4xf32, #tpu.memory_space<smem>>
        %get3A_90 = arith.index_cast %arg1 : i32 to index
        %get3A_91 = arith.constant 2 : index
        %get3A_92 = memref.load %arg8[%get3A_90, %get3A_91] : memref<4x4xf32, #tpu.memory_space<smem>>
        %get3A_93 = arith.index_cast %arg1 : i32 to index
        %get3A_94 = arith.constant 3 : index
        %get3A_95 = memref.load %arg8[%get3A_93, %get3A_94] : memref<4x4xf32, #tpu.memory_space<smem>>
        %mul3A_96 = arith.mulf %get3A_86, %get3A_86 : f32
        %div3A = arith.constant 0x49800000 : f32
        %div3A_97 = arith.divf %mul3A_96, %div3A : f32
        %sub3A_98 = arith.subf %get3A_89, %div3A_97 : f32
        %sub3A_99 = arith.constant 0x49800000 : f32
        %sub3A_100 = arith.constant 1.000000e+00 : f32
        %sub3A_101 = arith.subf %sub3A_99, %sub3A_100 : f32
        %div3A_102 = arith.divf %sub3A_98, %sub3A_101 : f32
        %sqrt3A = math.sqrt %div3A_102 : f32
        %mul3A_103 = arith.mulf %get3A_92, %get3A_92 : f32
        %div3A_104 = arith.constant 0x49800000 : f32
        %div3A_105 = arith.divf %mul3A_103, %div3A_104 : f32
        %sub3A_106 = arith.subf %get3A_95, %div3A_105 : f32
        %sub3A_107 = arith.constant 0x49800000 : f32
        %sub3A_108 = arith.constant 1.000000e+00 : f32
        %sub3A_109 = arith.subf %sub3A_107, %sub3A_108 : f32
        %div3A_110 = arith.divf %sub3A_106, %sub3A_109 : f32
        %sqrt3A_111 = math.sqrt %div3A_110 : f32
        %add3A_112 = arith.constant 9.99999974E-6 : f32
        %add3A_113 = arith.addf %sqrt3A, %add3A_112 : f32
        %div3A_114 = arith.constant 1.000000e+00 : f32
        %div3A_115 = arith.divf %div3A_114, %add3A_113 : f32
        %swap3A_116 = arith.index_cast %arg1 : i32 to index
        %swap3A_117 = arith.constant 0 : index
        %swap3A_118 = memref.load %arg9[%swap3A_116, %swap3A_117] : memref<4x2xf32, #tpu.memory_space<smem>>
        memref.store %div3A_115, %arg9[%swap3A_116, %swap3A_117] : memref<4x2xf32, #tpu.memory_space<smem>>
        %add3A_119 = arith.constant 9.99999974E-6 : f32
        %add3A_120 = arith.addf %sqrt3A_111, %add3A_119 : f32
        %div3A_121 = arith.constant 1.000000e+00 : f32
        %div3A_122 = arith.divf %div3A_121, %add3A_120 : f32
        %swap3A_123 = arith.index_cast %arg1 : i32 to index
        %swap3A_124 = arith.constant 1 : index
        %swap3A_125 = memref.load %arg9[%swap3A_123, %swap3A_124] : memref<4x2xf32, #tpu.memory_space<smem>>
        memref.store %div3A_122, %arg9[%swap3A_123, %swap3A_124] : memref<4x2xf32, #tpu.memory_space<smem>>
      } else {
      }
    } else {
    }
    %eq3A_23 = arith.constant 1 : i32
    %eq3A_24 = arith.cmpi eq, %arg0, %eq3A_23 : i32
    %convert_element_type3A_25 = arith.extui %eq3A_24 : i1 to i32
    %cond3A_26 = arith.constant 0 : i32
    %cond3A_27 = arith.cmpi ne, %convert_element_type3A_25, %cond3A_26 : i32
    scf.if %cond3A_27 {
      %get3A_28 = arith.index_cast %arg1 : i32 to index
      %get3A_29 = arith.constant 0 : index
      %get3A_30 = memref.load %arg9[%get3A_28, %get3A_29] : memref<4x2xf32, #tpu.memory_space<smem>>
      %get3A_31 = arith.index_cast %arg1 : i32 to index
      %get3A_32 = arith.constant 1 : index
      %get3A_33 = memref.load %arg9[%get3A_31, %get3A_32] : memref<4x2xf32, #tpu.memory_space<smem>>
      %mul3A = vector.broadcast %get3A_30 : f32 to vector<1x128x32x64xf32>
      %mul3A_34 = arith.mulf %sub3A_13, %mul3A : vector<1x128x32x64xf32>
      %swap3A = arith.constant 0 : index
      %swap3A_35 = arith.constant 0 : index
      %swap3A_36 = arith.constant 0 : index
      %swap3A_37 = arith.constant 0 : index
      %swap3A_38 = vector.load %arg7[%swap3A, %swap3A_35, %swap3A_36, %swap3A_37] : memref<1x128x32x256xf32, #tpu.memory_space<vmem>>, vector<1x128x32x64xf32>
      tpu.vector_store %arg7[%swap3A, %swap3A_35, %swap3A_36, %swap3A_37], %mul3A_34 {strides = array<i32>} : memref<1x128x32x256xf32, #tpu.memory_space<vmem>>, vector<1x128x32x64xf32>,
      %broadcast_in_dim3A_39 = vector.shape_cast %broadcast_in_dim3A : vector<1x128x1x64xf32> to vector<1x128x1x64xf32>
      %broadcast_in_dim3A_40 = vector.broadcast %broadcast_in_dim3A_39 : vector<1x128x1x64xf32> to vector<1x128x32x64xf32>
      %swap3A_41 = arith.constant 0 : index
      %swap3A_42 = arith.constant 0 : index
      %swap3A_43 = arith.constant 0 : index
      %swap3A_44 = arith.constant 64 : index
      %swap3A_45 = vector.load %arg7[%swap3A_41, %swap3A_42, %swap3A_43, %swap3A_44] : memref<1x128x32x256xf32, #tpu.memory_space<vmem>>, vector<1x128x32x64xf32>
      tpu.vector_store %arg7[%swap3A_41, %swap3A_42, %swap3A_43, %swap3A_44], %broadcast_in_dim3A_40 {strides = array<i32>} : memref<1x128x32x256xf32, #tpu.memory_space<vmem>>, vector<1x128x32x64xf32>,
      %mul3A_46 = vector.broadcast %get3A_33 : f32 to vector<1x128x32x64xf32>
      %mul3A_47 = arith.mulf %sub3A_20, %mul3A_46 : vector<1x128x32x64xf32>
      %swap3A_48 = arith.constant 0 : index
      %swap3A_49 = arith.constant 0 : index
      %swap3A_50 = arith.constant 0 : index
      %swap3A_51 = arith.constant 128 : index
      %swap3A_52 = vector.load %arg7[%swap3A_48, %swap3A_49, %swap3A_50, %swap3A_51] : memref<1x128x32x256xf32, #tpu.memory_space<vmem>>, vector<1x128x32x64xf32>
      tpu.vector_store %arg7[%swap3A_48, %swap3A_49, %swap3A_50, %swap3A_51], %mul3A_47 {strides = array<i32>} : memref<1x128x32x256xf32, #tpu.memory_space<vmem>>, vector<1x128x32x64xf32>,
      %broadcast_in_dim3A_53 = vector.shape_cast %broadcast_in_dim3A_7 : vector<1x128x1x64xf32> to vector<1x128x1x64xf32>
      %broadcast_in_dim3A_54 = vector.broadcast %broadcast_in_dim3A_53 : vector<1x128x1x64xf32> to vector<1x128x32x64xf32>
      %swap3A_55 = arith.constant 0 : index
      %swap3A_56 = arith.constant 0 : index
      %swap3A_57 = arith.constant 0 : index
      %swap3A_58 = arith.constant 192 : index
      %swap3A_59 = vector.load %arg7[%swap3A_55, %swap3A_56, %swap3A_57, %swap3A_58] : memref<1x128x32x256xf32, #tpu.memory_space<vmem>>, vector<1x128x32x64xf32>
      tpu.vector_store %arg7[%swap3A_55, %swap3A_56, %swap3A_57, %swap3A_58], %broadcast_in_dim3A_54 {strides = array<i32>} : memref<1x128x32x256xf32, #tpu.memory_space<vmem>>, vector<1x128x32x64xf32>,
    } else {
    }
    return
  }
  func.func @transform_0(%arg0: i32, %arg1: i32, %arg2: i32) -> (i32, i32, i32, i32) {
    %c0_i32 = arith.constant 0 : i32
    %c0_i32_0 = arith.constant 0 : i32
    %c0_i32_1 = arith.constant 0 : i32
    return %arg1, %arg2, %c0_i32, %c0_i32_0 : i32, i32, i32, i32
  }
  func.func @transform_1(%arg0: i32, %arg1: i32, %arg2: i32) -> (i32, i32, i32, i32) {
    %c0_i32 = arith.constant 0 : i32
    %c0_i32_0 = arith.constant 0 : i32
    %c0_i32_1 = arith.constant 0 : i32
    return %arg1, %arg2, %c0_i32, %c0_i32_0 : i32, i32, i32, i32
  }
  func.func @transform_2(%arg0: i32, %arg1: i32, %arg2: i32) -> (i32, i32, i32) {
    %c0_i32 = arith.constant 0 : i32
    %c0_i32_0 = arith.constant 0 : i32
    return %arg1, %arg2, %c0_i32 : i32, i32, i32
  }
  func.func @transform_3(%arg0: i32, %arg1: i32, %arg2: i32) -> (i32, i32, i32) {
    %c0_i32 = arith.constant 0 : i32
    %c0_i32_0 = arith.constant 0 : i32
    return %arg1, %arg2, %c0_i32 : i32, i32, i32
  }
  func.func @transform_4(%arg0: i32, %arg1: i32, %arg2: i32) -> (i32, i32, i32, i32) {
    %mul3A = arith.muli %arg1, %arg0 : i32
    %mul3A_0 = arith.muli %arg2, %arg0 : i32
    %c0_i32 = arith.constant 0 : i32
    %c0_i32_1 = arith.constant 0 : i32
    %c0_i32_2 = arith.constant 0 : i32
    return %mul3A, %mul3A_0, %c0_i32, %c0_i32_1 : i32, i32, i32, i32
  }
}

</mosaic_0001>

<sc_bundles>
// kernel: kernel.6.cloned.1.call-start
scs
__scs_entry_jumppad:
0x0: {  	(pc) =	sbr.rel $0x88, $3  }
0x1: {  	(tag) =	ssettag $0x0;
	lr =	simm.s32 $0x1  }
0x2: {  	[smem:$0x3F9E] =	sst lr;
	_ =	strace $0xD0000000  }
0x3: {  	_ = 	snop  }
0x4: {  	_ = 	snop  }
0x5: {  	_ = 	snop  }
0x6: {  	_ = 	snop  }
0x7: {  	_ = 	snop  }
__scs_overlays_trampoline_lowered:
0x8: {  	[smem:$0x3FAD] =	sst s0  }
0x9: {  	[smem:$0x3FAE] =	sst s1  }
0xa: {  	[smem:$0x3FAF] =	sst s2  }
0xb: {  	[smem:$0x3FB0] =	sst s3  }
0xc: {  	[smem:$0x3FB1] =	sst s4  }
0xd: {  	[smem:$0x3FB2] =	sst s5  }
0xe: {  	[smem:$0x3FB3] =	sst s6  }
0xf: {  	[smem:$0x3FB4] =	sst s7  }
0x10: {  	[smem:$0x3FB5] =	sst s8  }
0x11: {  	[smem:$0x3FB6] =	sst s9;
	s0 =	simm.s32 @!p0 $0x0  }
0x12: {  	s1 =	sld [smem:$0x3F9C];
	s0 =	simm.s32 @p0 $0x1  }
0x13: {  	[smem:$0x3FB7] =	sst s0;
	s0 =	simm.s32 @!p1 $0x0  }
0x14: {  	s2 =	sld [smem:$0x3F9B];
	s0 =	simm.s32 @p1 $0x1  }
0x15: {  	[smem:$0x3FB8] =	sst s0;
	s0 =	simm.s32 @!p2 $0x0  }
0x16: {  	s3 =	sld [smem:$0x3FDB];
	s0 =	simm.s32 @p2 $0x1  }
0x17: {  	s4 =	simm.s32 $0x1BF5;
	[smem:$0x3FBA] =	sst s0  }
0x18: {  	s0 =	sld [smem:$0x3F9D];
	_ =	swait.ge [sflag:s4], $0x0  }
0x19: {  	s7 =	sld [smem:$0x3F9E]  }
0x1a: {  	s8 =	sadd.s32 $0xFFFFE003, lr  }
0x1b: {  	s9 =	sadd.s32 $0xFFFFFEF7, lr;
	s5 =	simm.s32 $0xFFFFFFFF;
	p2 =	slt.u32 s8, $0xFFFFF086  }
0x1c: {  	p1 =	slt.u32 s9, $0xF7A;
	s5 =	simm.s32 @!p2 $0x0  }
0x1d: {  	s5 =	simm.s32 @p1 $0x1;
	p0 =	seq.s32 s7, s2  }
0x1e: {  	s7 =	smul.u32 @!p0 $0xF7A, s2;
	p2 =	seq.s32 @!p0 s5, $0x0  }
0x1f: {  	s9 =	smul.u32 $0xF7A, s1;
	s8 =	simm.s32 @!p0 $0x1BF5;
	p2 =	por !p2, p0  }
0x20: {  	[sflag:s8] =	ssyncset.s32 @!p0 $0xFFFFF086;
	s6 =	sadd.s32 @!p0 s3, s7;
	s7 =	simm.s32 @!p0 $0x108  }
0x21: {  	s3 =	sadd.s32 s3, s9;
	s6 =	sadd.s32 @!p0 $0x88, s6;
	s7 =	simm.s32 @p2 $0x1082  }
0x22: {  	[simem:s7], [sflag:s8] =	dma.local @!p0 [hbm:s6], $0xF7A  }
0x23: {  	s9 =	sor.u32 $0xD0000000, s2;
	s6 =	simm.s32 $0x108;
	_ =	swait.ge @!p0 [sflag:s8], $0x0  }
0x24: {  	s3 =	sadd.s32 $0x88, s3;
	s6 =	simm.s32 @!p1 $0x1082;
	[sflag:s4] =	ssyncset.s32 $0xFFFFF086  }
0x25: {  	[simem:s6], [sflag:s4] =	dma.local [hbm:s3], $0xF7A  }
0x26: {  	[smem:$0x3F9E] =	sst s1;
	(tag) =	ssettag s2;
	_ =	strace s9  }
0x27: {  	s1 =	sld [smem:$0x3FAE]  }
0x28: {  	s2 =	sld [smem:$0x3FAF]  }
0x29: {  	s4 =	sld [smem:$0x3FB1]  }
0x2a: {  	p0 =	seq.s32 s5, $0x0;
	s5 =	sld [smem:$0x3FB2]  }
0x2b: {  	s6 =	sld [smem:$0x3FB3]  }
0x2c: {  	s7 =	sld [smem:$0x3FB4]  }
0x2d: {  	s3 =	simm.s32 $0x108;
	s8 =	sld [smem:$0x3FB5]  }
0x2e: {  	s3 =	simm.s32 @!p0 $0x1082;
	s9 =	sld [smem:$0x3FB6]  }
0x2f: {  	lr =	sadd.s32 s0, s3;
	s0 =	sld [smem:$0x3FAD]  }
0x30: {  	s3 =	sld [smem:$0x3FB0]  }
0x31: {  	[smem:$0x3FB9] =	sst s10  }
0x32: {  	s10 =	sld [smem:$0x3FB7];
	_ =	sdelay $0x3  }
0x33: {  	p0 =	seq.s32 s10, $0x1;
	s10 =	sld [smem:$0x3FB9];
	_ =	sdelay $0x3  }
0x34: {  	[smem:$0x3FB9] =	sst s10  }
0x35: {  	s10 =	sld [smem:$0x3FB8];
	_ =	sdelay $0x3  }
0x36: {  	p1 =	seq.s32 s10, $0x1;
	s10 =	sld [smem:$0x3FB9];
	_ =	sdelay $0x3  }
0x37: {  	[smem:$0x3FB9] =	sst s10  }
0x38: {  	s10 =	sld [smem:$0x3FBA]  }
0x39: {  	_ = 	snop;
	(pc) =	sbr.ind lr, $3  }
0x3a: {  	_ = 	snop  }
0x3b: {  	_ = 	snop  }
0x3c: {  	p2 =	seq.s32 s10, $0x1;
	s10 =	sld [smem:$0x3FB9]  }
0x3d: {  	_ =	shalt  }
0x3e: {  	_ =	shalt  }
0x3f: {  	_ =	shalt  }
0x40: {  	_ =	shalt  }
0x41: {  	_ =	shalt  }
0x42: {  	_ =	shalt  }
0x43: {  	_ =	shalt  }
0x44: {  	_ =	shalt  }
0x45: {  	_ =	shalt  }
0x46: {  	_ =	shalt  }
0x47: {  	_ =	shalt  }
0x48: {  	_ =	shalt  }
0x49: {  	_ =	shalt  }
0x4a: {  	_ =	shalt  }
0x4b: {  	_ =	shalt  }
0x4c: {  	_ =	shalt  }
0x4d: {  	_ =	shalt  }
0x4e: {  	_ =	shalt  }
0x4f: {  	_ =	shalt  }
0x50: {  	_ =	shalt  }
0x51: {  	_ =	shalt  }
0x52: {  	_ =	shalt  }
0x53: {  	_ =	shalt  }
0x54: {  	_ =	shalt  }
0x55: {  	_ =	shalt  }
0x56: {  	_ =	shalt  }
0x57: {  	_ =	shalt  }
0x58: {  	_ =	shalt  }
0x59: {  	_ =	shalt  }
0x5a: {  	_ =	shalt  }
0x5b: {  	_ =	shalt  }
0x5c: {  	_ =	shalt  }
0x5d: {  	_ =	shalt  }
0x5e: {  	_ =	shalt  }
0x5f: {  	_ =	shalt  }
0x60: {  	_ =	shalt  }
0x61: {  	_ =	shalt  }
0x62: {  	_ =	shalt  }
0x63: {  	_ =	shalt  }
0x64: {  	_ =	shalt  }
0x65: {  	_ =	shalt  }
0x66: {  	_ =	shalt  }
0x67: {  	_ =	shalt  }
0x68: {  	_ =	shalt  }
0x69: {  	_ =	shalt  }
0x6a: {  	_ =	shalt  }
0x6b: {  	_ =	shalt  }
0x6c: {  	_ =	shalt  }
0x6d: {  	_ =	shalt  }
0x6e: {  	_ =	shalt  }
0x6f: {  	_ =	shalt  }
0x70: {  	_ =	shalt  }
0x71: {  	_ =	shalt  }
0x72: {  	_ =	shalt  }
0x73: {  	_ =	shalt  }
0x74: {  	_ =	shalt  }
0x75: {  	_ =	shalt  }
0x76: {  	_ =	shalt  }
0x77: {  	_ =	shalt  }
0x78: {  	_ =	shalt  }
0x79: {  	_ =	shalt  }
0x7a: {  	_ =	shalt  }
0x7b: {  	_ =	shalt  }
0x7c: {  	_ =	shalt  }
0x7d: {  	_ =	shalt  }
0x7e: {  	_ =	shalt  }
0x7f: {  	_ =	shalt  }
0x80: {  	_ =	shalt  }
0x81: {  	_ =	shalt  }
0x82: {  	_ =	shalt  }
0x83: {  	_ =	shalt  }
0x84: {  	_ =	shalt  }
0x85: {  	_ =	shalt  }
0x86: {  	_ =	shalt  }
0x87: {  	_ =	shalt  }
.Lfunc_end0:
.L_simem_size_0:
called_computation_lowered:
.L_overlay_start_0:
0x88: {  	s2 =	sld [smem:$0x3FD9]  }
0x89: {  	s3 =	sld [smem:$0x3FFE];
	_ =	sdelay $0x1  }
0x8a: {  	s1 =	srdreg.scid  }
0x8b: {  	s0 =	sand.u32 $0x1, s1  }
0x8c: {  	s17 =	sshll.u32 s0, $0xA;
	s2 =	sadd.s32 s3, s2  }
0x8d: {  	s2 =	sadd.s32 s2, s17  }
0x8e: {  	[smem:$0x3FC5] =	sst s2  }
0x8f: {  	_ = 	snop  }
0x90: {  	s2 =	sld [smem:$0x3FD0];
	(tm) =	ssettm $0x1  }
0x91: {  	s18 =	sld [smem:$0x3FFB];
	_ =	sdelay $0x3  }
0x92: {  	_ =	strace s18  }
0x93: {  	s3 =	sld [smem:$0x3FFC];
	_ =	sdelay $0x3  }
0x94: {  	_ =	strace s3  }
0x95: {  	s3 =	sld [smem:$0x3FFD];
	_ =	sdelay $0x3  }
0x96: {  	_ =	strace s3  }
0x97: {  	_ =	strace $0x8FFFFFFF  }
0x98: {  	s19 =	sld [smem:$0x3FDB];
	_ =	sdelay $0x1  }
0x99: {  	s4 =	simm.s32 $_scs_section_size  }
0x9a: {  	s5 =	simm.s32 $_size__tile_overlayer_lowered;
	s6 =	simm.s32 $_tile_overlayer_lowered  }
0x9b: {  	s22 =	simm.s32 $0x1BFF;
	s21 =	sshll.u32 s6, $0x1;
	s3 =	sadd.s32 s4, s19  }
0x9c: {  	s7 =	simm.s32 $0x0;
	s20 =	sshll.u32 s5, $0x1;
	s5 =	sadd.s32 s21, s3  }
0x9d: {  	[timem:s7], [sflag:s22] =	dma.local [hbm:s5], s20  }
0x9e: {  	_ =	swait.ge [sflag:s22], s20  }
0x9f: {  	s4 =	ssub.s32 $0x0, s20;
	[sflag:s22] =	ssyncset.done $0x0  }
0xa0: {  	[sflag:s22] =	ssyncadd.s32 s4;
	_ =	sdelay $0x1  }
0xa1: {  	s23 =	simm.s32 $0x1B8B  }
0xa2: {  	_ =	swait.ge [sflag:s23], $0x1  }
0xa3: {  	[sflag:s23] =	ssyncset.done $0x0  }
0xa4: {  	s25 =	simm.s32 $0x1B8E;
	s24 =	sld [smem:$0x3FFE];
	[sflag:s23] =	ssyncadd.s32 $0xFFFFFFFF  }
0xa5: {  	s26 =	simm.s32 $execute0_lowered;
	[smem:$0x3FD2] =	sst s25  }
0xa6: {  	s5 =	sshll.u32 s26, $0x1;
	_ =	strace $0x80000046;
	[dreg:$0x1] =	wrdreg $0xFFFFFFFF  }
0xa7: {  	s28 =	simm.s32 $_size_execute0_lowered;
	s3 =	sadd.s32 s3, s5;
	[dreg:$0x0] =	wrdreg $0x0  }
0xa8: {  	s5 =	sshll.u32 s28, $0x1;
	[dreg:$0x2] =	wrdreg s3  }
0xa9: {  	[dreg:$0x3] =	wrdreg s5  }
0xaa: {  	[dreg:$0x4] =	wrdreg $0xC0  }
0xab: {  	_ =	task [dreg:s7], $0x5FFFF  }
0xac: {  	[dreg:$0x1] =	wrdreg $0xFFFFFFFF  }
0xad: {  	[dreg:$0x0] =	wrdreg $0x60  }
0xae: {  	[dreg:$0x2] =	wrdreg s24  }
0xaf: {  	[dreg:$0x3] =	wrdreg s2  }
0xb0: {  	[dreg:$0x4] =	wrdreg $0x9  }
0xb1: {  	_ =	task.clear_ibuf [dreg:s7], $0x5FFFF;
	_ =	strace $0x90000046  }
0xb2: {  	s29 =	simm.s32 $0x9;
	_ =	strace $0x80000048  }
0xb3: {  	_ =	swait.ge [sflag:s29], $0x1  }
0xb4: {  	[sflag:s29] =	ssyncadd.s32 $0xFFFFFFFF  }
0xb5: {  	_ =	strace $0x90000048  }
0xb6: {  	_ =	sfence  }
0xb7: {  	s30 =	sld [smem:$0x0];
	_ =	sdelay $0x2  }
0xb8: {  	s31 =	sshll.u32 s1, $0xD;
	s1 =	sshrl.u32 s1, $0x2  }
0xb9: {  	s3 =	sand.u32 $0x4000, s31;
	s1 =	sadd.s32 s1, s30  }
0xba: {  	s0 =	sor.u32 s3, s0;
	s1 =	sshll.u32 s1, $0x11  }
0xbb: {  	s0 =	sor.u32 s1, s0  }
0xbc: {  	s0 =	sadd.s32 $0x8F2B, s0  }
0xbd: {  	[sflag:s0] =	ssyncadd.remote.s32 $0x1  }
0xbe: {  	_ =	sfence.sel $0xFFFF  }
0xbf: {  	[dreg:$0x0] =	wrdreg $0xFFFFFFFF;
	(pc) =	sbr.abs _section_cstart, $3  }
0xc0: {  	[dreg:$0x1] =	wrdreg $0xFFFFFFFF  }
0xc1: {  	_ =	task.clear_ibuf [dreg:s7], $0x2FFFF;
	_ =	strace $0x9FFFFFFF  }
0xc2: {  	(tm) =	ssettm $0x7FFFFFFF  }
0xc3: {  	_ =	shalt  }
tec
execute0_lowered:
.L_overlay_start_1:
0x0: {  	(tag) =	ssettag $0x1  }
0x1: {  	s5 =	rddreg [dreg:$0x0]  }
0x2: {  	s10 =	rddreg [dreg:$0x1]  }
0x3: {  	s0 =	rddreg [dreg:$0x2];
	s2 =	simm.s32 $0x0;
	s3 =	srdreg.scid  }
0x4: {  	s1 =	stileid.u32;
	s15 =	simm.s32 $0x2800;
	s16 =	simm.s32 $0x1  }
0x5: {  	s17 =	simm.s32 $0x2;
	s18 =	simm.s32 $0x4800;
	s19 =	simm.s32 $0x40  }
0x6: {  	s20 =	simm.s32 $0x4840;
	s21 =	simm.s32 $0x0;
	[smem:$0x7FF] =	sst s2  }
0x7: {  	s9 =	sand.u32 $0x1, s3;
	s28 =	sshll.u32 s1, $0x1;
	s3 =	sadd.s32 $0x21400, s5  }
0x8: {  	s4 =	sadd.s32 $0x1400, s5;
	s11 =	sshll.u32 s1, $0xF;
	_ =	strace $0x80000047  }
0x9: {  	s6 =	sor.u32 s9, s28;
	s12 =	ssub.s32 $0x2, s9;
	s13 =	sadd.s32 s11, s5  }
0xa: {  	s30 =	sshll.u32 s9, $0xE;
	s10 =	sadd.s32 s11, s10;
	s7 =	sshll.u32 s6, $0x8  }
0xb: {  	s8 =	sshll.u32 s6, $0x3;
	s6 =	sshll.u32 s6, $0x9;
	s29 =	sshrl.u32 s12, $0x1  }
0xc: {  	s31 =	sadd.s32 s30, s13;
	s10 =	sadd.s32 s30, s10;
	s13 =	simm.s32 $0x80  }
0xd: {  	s7 =	sadd.s32 s7, s5;
	s8 =	sadd.s32 s8, s5;
	s14 =	sadd.s32 s6, s5  }
0xe: {  	s12 =	ssub.s32 s12, s29;
	s11 =	sadd.s32 $0x4B400, s31;
	s5 =	sadd.s32 $0x41400, s7  }
0xf: {  	s6 =	sadd.s32 $0x1200, s8;
	s7 =	sadd.s32 $0x43400, s14;
	s8 =	sadd.s32 $0x47400, s14  }
0x10: {  	s9 =	smax.u32 s12, $0x1;
	s12 =	simm.s32 $0x3;
	s14 =	simm.s32 $0x800  }
.LBB2_1:
0x11: {  	[tilespmem:s2], [sflag:$0x3] =	stream.linear.gather [hbm4b:s5+s2], $0x800, $0x38;
	[tilespmem:$0x5840] =	vst v63  }
0x12: {  	_ =	swait.ge [sflag:s12], $0x800  }
0x13: {  	[sflag:s12] =	ssyncset.done $0x0  }
0x14: {  	[sflag:s12] =	ssyncadd.s32 $0xFFFFF800  }
0x15: {  	[tilespmem:s14], [sflag:$0x1] =	stream.indirect.gather [hbm4b:s3+s13], $0x40, s2, s13, $0xb8;
	[tilespmem:$0x5840] =	vst v63  }
0x16: {  	_ = 	snop  }
0x17: {  	[tilespmem:s15], [sflag:$0x2] =	stream.indirect.gather [hbm4b:s4+s13], $0x40, s2, s13, $0xb8;
	[tilespmem:$0x5840] =	vst v63  }
0x18: {  	_ =	swait.ge [sflag:s16], $0x2000  }
0x19: {  	[sflag:s16] =	ssyncset.done $0x0  }
0x1a: {  	s22 =	sadd.s32 $0x0, s10;
	[sflag:s16] =	ssyncadd.s32 $0xFFFFE000  }
0x1b: {  	[hbm4b:s22+s2] =	stream.linear.scatter [tilespmem:s14], [sflag:$0x3], $0x2000, $0x38;
	[tilespmem:$0x5840] =	vst v63  }
0x1c: {  	_ =	swait.ge [sflag:s12], $0x2000  }
0x1d: {  	[sflag:s12] =	ssyncset.done $0x0  }
0x1e: {  	[sflag:s12] =	ssyncadd.s32 $0xFFFFE000  }
0x1f: {  	_ =	swait.ge [sflag:s17], $0x2000  }
0x20: {  	[sflag:s17] =	ssyncset.done $0x0  }
0x21: {  	s31 =	sadd.s32 $0x0, s11;
	[sflag:s17] =	ssyncadd.s32 $0xFFFFE000  }
0x22: {  	[hbm4b:s31+s2] =	stream.linear.scatter [tilespmem:s15], [sflag:$0x3], $0x2000, $0x38;
	[tilespmem:$0x5840] =	vst v63  }
0x23: {  	_ =	swait.ge [sflag:s12], $0x2000  }
0x24: {  	s23 =	simm.s32 $0x0;
	s22 =	simm.s32 $0x400;
	[sflag:s12] =	ssyncset.done $0x0  }
.LBB2_2:
0x25: {  	p0 =	sne.s32 s22, $0x3C00;
	[sflag:s12] =	ssyncadd.s32 $0xFFFFE000;
	s23 =	sadd.s32 $0x80, s23  }
0x26: {  	[tilespmem:s14], [sflag:$0x1] =	stream.indirect.gather [hbm4b:s3+s13], $0x40, s23, s13, $0xb8;
	[tilespmem:$0x5840] =	vst v63  }
0x27: {  	s24 =	smov.u32 s22;
	s22 =	sadd.s32 $0x400, s22  }
0x28: {  	[tilespmem:s15], [sflag:$0x2] =	stream.indirect.gather [hbm4b:s4+s13], $0x40, s23, s13, $0xb8;
	[tilespmem:$0x5840] =	vst v63  }
0x29: {  	_ =	swait.ge [sflag:s16], $0x2000  }
0x2a: {  	[sflag:s16] =	ssyncset.done $0x0  }
0x2b: {  	s25 =	sadd.s32 s24, s10;
	[sflag:s16] =	ssyncadd.s32 $0xFFFFE000  }
0x2c: {  	[hbm4b:s25+s2] =	stream.linear.scatter [tilespmem:s14], [sflag:$0x3], $0x2000, $0x38;
	[tilespmem:$0x5840] =	vst v63  }
0x2d: {  	_ =	swait.ge [sflag:s12], $0x2000  }
0x2e: {  	[sflag:s12] =	ssyncset.done $0x0  }
0x2f: {  	[sflag:s12] =	ssyncadd.s32 $0xFFFFE000  }
0x30: {  	_ =	swait.ge [sflag:s17], $0x2000  }
.Ltmp0:
0x31: {  	[sflag:s17] =	ssyncset.done $0x0;
	(pc) =	sbr.rel @p0 .LBB2_2-.Ltmp0, $4  }
0x32: {  	s24 =	sadd.s32 s24, s11;
	[sflag:s17] =	ssyncadd.s32 $0xFFFFE000  }
0x33: {  	[hbm4b:s24+s2] =	stream.linear.scatter [tilespmem:s15], [sflag:$0x3], $0x2000, $0x38;
	[tilespmem:$0x5840] =	vst v63  }
0x34: {  	_ =	swait.ge [sflag:s12], $0x2000  }
0x35: {  	[sflag:s12] =	ssyncset.done $0x0  }
0x36: {  	[sflag:s12] =	ssyncadd.s32 $0xFFFFE000  }
0x37: {  	[tilespmem:s18], [sflag:$0x3] =	stream.linear.gather [hbm4b:s6+s2], $0x40, $0x38;
	[tilespmem:$0x5840] =	vst v63  }
0x38: {  	_ =	swait.ge [sflag:s12], $0x40  }
0x39: {  	[sflag:s12] =	ssyncset.done $0x0  }
0x3a: {  	[sflag:s12] =	ssyncadd.s32 $0xFFFFFFC0  }
0x3b: {  	[tilespmem:s20], [sflag:$0x1] =	stream.indirect.gather [hbm4b:s3+s19], $0x40, s18, s19, $0xb8;
	[tilespmem:$0x5840] =	vst v63  }
0x3c: {  	_ =	swait.ge [sflag:s16], $0x1000  }
0x3d: {  	[sflag:s16] =	ssyncset.done $0x0  }
0x3e: {  	[sflag:s16] =	ssyncadd.s32 $0xFFFFF000  }
0x3f: {  	[hbm4b:s7+s2] =	stream.linear.scatter [tilespmem:s20], [sflag:$0x3], $0x1000, $0x38;
	[tilespmem:$0x5840] =	vst v63  }
0x40: {  	_ =	swait.ge [sflag:s12], $0x1000  }
0x41: {  	[sflag:s12] =	ssyncset.done $0x0  }
0x42: {  	[sflag:s12] =	ssyncadd.s32 $0xFFFFF000  }
0x43: {  	[tilespmem:s20], [sflag:$0x2] =	stream.indirect.gather [hbm4b:s4+s19], $0x40, s18, s19, $0xb8;
	[tilespmem:$0x5840] =	vst v63  }
0x44: {  	s21 =	sadd.s32 $0x1, s21;
	_ =	swait.ge [sflag:s17], $0x1000  }
0x45: {  	p0 =	sne.s32 s21, s9;
	[sflag:s17] =	ssyncset.done $0x0  }
.Ltmp1:
0x46: {  	[sflag:s17] =	ssyncadd.s32 $0xFFFFF000;
	(pc) =	sbr.rel @p0 .LBB2_1-.Ltmp1, $4  }
0x47: {  	[hbm4b:s8+s2] =	stream.linear.scatter [tilespmem:s20], [sflag:$0x3], $0x1000, $0x38;
	[tilespmem:$0x5840] =	vst v63  }
0x48: {  	_ =	swait.ge [sflag:s12], $0x1000  }
0x49: {  	[sflag:s12] =	ssyncset.done $0x0  }
0x4a: {  	[sflag:s12] =	ssyncadd.s32 $0xFFFFF000  }
0x4b: {  	_ =	sfence.sel $0x180000  }
0x4c: {  	[bflag:$0x0] =	sbarrier.arrive $0xFFFF  }
0x4d: {  	p0 =	sne.s32 s1, $0x0;
	_ =	strace $0x90000047  }
0x4e: {  	s0 =	sadd.s32 @!p0 $0x100000, s0;
	[bflag:$0x2] =	sbarrier.arrive $0xFFFF  }
0x4f: {  	[sflag:s0] =	ssyncadd.tile.s32 @!p0 $0x1;
	_ =	shalt  }
.Lfunc_end2:
_tile_overlayer_lowered:
.L_overlay_start_2:
0x50: {  	(tag) =	ssettag $0x2  }
0x51: {  	s0 =	rddreg [dreg:$0x0];
	s2 =	stileid.u32  }
0x52: {  	s1 =	rddreg [dreg:$0x1];
	p0 =	sne.s32 s2, $0x0  }
0x53: {  	s3 =	rddreg [dreg:$0x2];
	[bflag:$0x3] =	sbarrier.arrive $0xFFFF;
	s2 =	simm.s32 @!p0 $0x1C03  }
0x54: {  	[timem:s3], [sflag:s2] =	dma.local @!p0 [hbm:s0], s1  }
0x55: {  	s0 =	simm.s32 @!p0 $0x3  }
0x56: {  	_ =	swait.ge @!p0 [sflag:s0], s1  }
0x57: {  	s1 =	ssub.s32 @!p0 $0x0, s1;
	[sflag:s0] =	ssyncset.done @!p0 $0x0  }
0x58: {  	[sflag:s0] =	ssyncadd.s32 @!p0 s1  }
0x59: {  	[bflag:$0x3] =	sbarrier.arrive $0xFFFF  }
0x5a: {  	_ =	shalt  }

</sc_bundles>
